<compile_context>
chip_gen: v7x
topology: tpu7x:2x2x1
jax: 0.10.2.dev20260603
libtpu: 0.0.44.dev20260713+nightly
codegen_flags: <defaults>
</compile_context>

<pallas_src>
import functools

import jax
import jax.numpy as jnp
from jax import lax
from jax.experimental import pallas as pl
from jax.experimental.pallas import tpu as pltpu
from jax.experimental.pallas import tpu_sc as plsc

N = 10000
C_IN = 256
C_OUT = 256
C_HALF = 128
K = 27
BN_EPS = 1e-5

E = N * K
NUM_TILES = 16
CHUNK = 128
NCHUNK = 132
NPAIR = NCHUNK // 2
E_TILE = NCHUNK * CHUNK
E_PAD = NUM_TILES * E_TILE
DUMP = N
ACC_ROWS = 10008
STRIPE = 632
LAST_STRIPE = ACC_ROWS - (NUM_TILES - 1) * STRIPE


def _matmul_tc(data, weight):
    def body(d_ref, w_ref, l_ref, r_ref):
        res = jnp.dot(d_ref[...], w_ref[0],
                      preferred_element_type=jnp.float32)
        l_ref[...] = res[:, :C_HALF]
        r_ref[...] = res[:, C_HALF:]

    return pl.pallas_call(
        body,
        grid=(K,),
        in_specs=[
            pl.BlockSpec((N, C_IN), lambda k: (0, 0)),
            pl.BlockSpec((1, C_IN, C_OUT), lambda k: (k, 0, 0)),
        ],
        out_specs=[
            pl.BlockSpec((N, C_HALF), lambda k: (k, 0)),
            pl.BlockSpec((N, C_HALF), lambda k: (k, 0)),
        ],
        out_shape=[
            jax.ShapeDtypeStruct((E_PAD, C_HALF), jnp.float32),
            jax.ShapeDtypeStruct((E_PAD, C_HALF), jnp.float32),
        ],
    )(data.astype(jnp.bfloat16), weight.astype(jnp.bfloat16))


def _scatter_sc(contrib_l, contrib_r, idx, zeros):
    mesh = plsc.VectorSubcoreMesh(core_axis_name="c", subcore_axis_name="s")

    @functools.partial(
        pl.kernel,
        out_type=jax.ShapeDtypeStruct((2, ACC_ROWS, C_HALF), jnp.float32),
        mesh=mesh,
        compiler_params=pltpu.CompilerParams(use_tc_tiling_on_sc=False),
        scratch_types=[
            pltpu.VMEM((CHUNK,), jnp.int32),
            pltpu.VMEM((CHUNK,), jnp.int32),
            pltpu.VMEM((CHUNK, C_HALF), jnp.float32),
            pltpu.VMEM((CHUNK, C_HALF), jnp.float32),
            pltpu.VMEM_SHARED((ACC_ROWS, C_HALF), jnp.float32),
            pltpu.SemaphoreType.DMA,
            pltpu.SemaphoreType.DMA,
        ],
    )
    def body(cl_hbm, cr_hbm, idx_hbm, zeros_hbm, out_hbm,
             cidx0, cidx1, buf0, buf1, acc_a, sem0, sem1):
        c = lax.axis_index("c")
        s = lax.axis_index("s")
        base = s * E_TILE

        @pl.when(s < NUM_TILES - 1)
        def _():
            pltpu.sync_copy(zeros_hbm, acc_a.at[pl.ds(s * STRIPE, STRIPE)])

        @pl.when(s == NUM_TILES - 1)
        def _():
            pltpu.sync_copy(zeros_hbm.at[pl.ds(0, LAST_STRIPE)],
                            acc_a.at[pl.ds(s * STRIPE, LAST_STRIPE)])

        plsc.subcore_barrier()

        def run(src_hbm):
            def load(it, cidx, buf, sem):
                pltpu.async_copy(idx_hbm.at[s, it], cidx, sem)
                pltpu.async_copy(
                    src_hbm.at[pl.ds(base + it * CHUNK, CHUNK)], buf, sem)

            def wait(cidx, buf, sem):
                pltpu.make_async_copy(idx_hbm.at[s, 0], cidx, sem).wait()
                pltpu.make_async_copy(
                    src_hbm.at[pl.ds(0, CHUNK)], buf, sem).wait()

            load(0, cidx0, buf0, sem0)

            def pair(g, _):
                wait(cidx0, buf0, sem0)
                load(2 * g + 1, cidx1, buf1, sem1)
                pltpu.sync_copy(buf0, acc_a.at[cidx0], add=True)
                wait(cidx1, buf1, sem1)

                @pl.when(g < NPAIR - 1)
                def _():
                    load(2 * g + 2, cidx0, buf0, sem0)

                pltpu.sync_copy(buf1, acc_a.at[cidx1], add=True)
                return 0

            lax.fori_loop(0, NPAIR, pair, 0)

        @pl.when(c == 0)
        def _():
            run(cl_hbm)

        @pl.when(c == 1)
        def _():
            run(cr_hbm)

        plsc.subcore_barrier()

        @pl.when(s < NUM_TILES - 1)
        def _():
            pltpu.sync_copy(acc_a.at[pl.ds(s * STRIPE, STRIPE)],
                            out_hbm.at[c, pl.ds(s * STRIPE, STRIPE)])

        @pl.when(s == NUM_TILES - 1)
        def _():
            pltpu.sync_copy(acc_a.at[pl.ds(s * STRIPE, LAST_STRIPE)],
                            out_hbm.at[c, pl.ds(s * STRIPE, LAST_STRIPE)])

    return body(contrib_l, contrib_r, idx, zeros)


def _bn_gelu_tc(p_in, gamma, beta):
    def body(p_ref, g_ref, b_ref, o_ref):
        v = jnp.concatenate([p_ref[0, :N], p_ref[1, :N]], axis=1)
        mean = jnp.mean(v, axis=0, keepdims=True)
        var = jnp.mean((v - mean) ** 2, axis=0, keepdims=True)
        xhat = (v - mean) * lax.rsqrt(var + BN_EPS)
        y = xhat * g_ref[...] + b_ref[...]
        o_ref[...] = 0.5 * y * (1.0 + lax.erf(y * 0.7071067811865476))

    return pl.pallas_call(
        body,
        out_shape=jax.ShapeDtypeStruct((N, C_OUT), jnp.float32),
    )(p_in, gamma.reshape(1, C_OUT), beta.reshape(1, C_OUT))


def kernel(data, neigh, depth, weight, gamma, beta):
    del depth
    contrib_l, contrib_r = _matmul_tc(data, weight)

    idx_flat = neigh.T.reshape(-1)
    idx = jnp.concatenate(
        [idx_flat, jnp.full((E_PAD - E,), DUMP, jnp.int32)]
    ).reshape(NUM_TILES, NCHUNK, CHUNK)

    zeros = jnp.zeros((STRIPE, C_HALF), jnp.float32)
    p = _scatter_sc(contrib_l, contrib_r, idx, zeros)
    return _bn_gelu_tc(p, gamma, beta)

# --- scband reference (transcript-rebuilt; emitter-appended) ---
"""Pipeline reference for scband-octree-deconv-bn-elu-60043642798688 (READ-ONLY COPY).

The authoritative reference and input builder live on the scoring server;
editing this copy changes nothing except your own understanding.
"""

import jax, jax.numpy as jnp
import numpy as np

N = 10000
C_IN = 256
C_OUT = 256
K = 27  # kernel_size=[3] -> 3x3x3 neighborhood
BN_EPS = 1e-5


def setup_inputs(seed: int = 0) -> dict:
    key = jax.random.key(seed)
    k1, k2, k3 = jax.random.split(key, 3)
    data = jax.random.normal(k1, (N, C_IN), dtype=jnp.float32)
    # octree neighbor table at the given depth: for each node, indices of the
    # 27 nodes its transposed-conv kernel writes to (in-range node ids)
    neigh = jax.random.randint(k2, (N, K), 0, N, dtype=jnp.int32)
    depth = 5
    # learned parameters
    weight = jax.random.normal(k3, (K, C_IN, C_OUT), dtype=jnp.float32) * 0.02
    gamma = jnp.ones((C_OUT,), dtype=jnp.float32)
    beta = jnp.zeros((C_OUT,), dtype=jnp.float32)
    return {"data": data, "neigh": neigh, "depth": depth,
            "weight": weight, "gamma": gamma, "beta": beta}


def reference(data, neigh, depth, weight, gamma, beta):
    # OctreeDeconv (stride=1): transposed conv over octree neighborhoods.
    # Each source node i scatters (data[i] @ W[k]) into destination neigh[i, k].
    del depth  # structural arg; neighbor table already extracted for this depth
    contrib = jnp.einsum('nc,kcd->nkd', data, weight)  # [N, K, C_OUT]
    out = jnp.zeros((N, C_OUT), dtype=data.dtype)
    out = out.at[neigh.reshape(-1)].add(contrib.reshape(-1, C_OUT))
    # BatchNorm1d (training mode: batch statistics over nodes)
    mean = jnp.mean(out, axis=0)
    var = jnp.var(out, axis=0)
    xhat = (out - mean) * jax.lax.rsqrt(var + BN_EPS)
    y = xhat * gamma + beta
    # module names it elu but instantiates GELU (exact, matching torch default)
    return jax.nn.gelu(y, approximate=False)

if __name__ == "__main__":
    import jax
    _d = setup_inputs()
    print(jax.jit(kernel)(*tuple(_d.values())))

</pallas_src>

<mosaic_0001>
#map = affine_map<(d0, d1) -> (0, 0)>
#map1 = affine_map<(d0, d1) -> (0, 0, 0)>
module attributes {stable_mosaic.version = 14 : i64} {
  func.func @body(%arg0: i32, %arg1: i32, %arg2: memref<270336x128xf32, #tpu.memory_space<hbm>>, %arg3: memref<270336x128xf32, #tpu.memory_space<hbm>>, %arg4: memref<16x132x128xi32, #tpu.memory_space<hbm>>, %arg5: memref<632x128xf32, #tpu.memory_space<hbm>>, %arg6: memref<2x10008x128xf32, #tpu.memory_space<hbm>>, %arg7: memref<128xi32, #tpu.memory_space<vmem>>, %arg8: memref<128xi32, #tpu.memory_space<vmem>>, %arg9: memref<128x128xf32, #tpu.memory_space<vmem>>, %arg10: memref<128x128xf32, #tpu.memory_space<vmem>>, %arg11: memref<10008x128xf32, #tpu.memory_space<vmem_shared>>, %arg12: memref<!tpu.dma_semaphore, #tpu.memory_space<semaphore_mem>>, %arg13: memref<!tpu.dma_semaphore, #tpu.memory_space<semaphore_mem>>) attributes {dimension_semantics = [#tpu.dimension_semantics<core_parallel>, #tpu.dimension_semantics<subcore_parallel>], iteration_bounds = array<i64: 2, 16>, scalar_prefetch = 0 : i64, scratch_operands = 7 : i64, tpu.core_type = #tpu.core_type<sc_vector_subcore>, window_params = [{transform_indices = #map}, {transform_indices = #map}, {transform_indices = #map1}, {transform_indices = #map}, {transform_indices = #map1}]} {
    %mul3A = arith.constant 16896 : i32
    %mul3A_0 = arith.muli %arg1, %mul3A : i32
    %lt3A = arith.constant 15 : i32
    %lt3A_1 = arith.cmpi slt, %arg1, %lt3A : i32
    %convert_element_type3A = arith.extui %lt3A_1 : i1 to i32
    %cond3A = arith.constant 0 : i32
    %cond3A_2 = arith.cmpi ne, %convert_element_type3A, %cond3A : i32
    scf.if %cond3A_2 {
      %mul3A_28 = arith.constant 632 : i32
      %mul3A_29 = arith.muli %arg1, %mul3A_28 : i32
      "tpu.region"() ({
        %run_scoped3A = tpu.sem_alloc : memref<!tpu.dma_semaphore, #tpu.memory_space<semaphore_mem>>
        %dma_start3A = arith.constant 0 : i32
        %dma_start3A_30 = tpu.memref_slice %arg11[%mul3A_29, %dma_start3A] : memref<10008x128xf32, #tpu.memory_space<vmem_shared>> -> memref<632x128xf32, #tpu.memory_space<vmem_shared>>
        tpu.enqueue_dma source(%arg5 : memref<632x128xf32, #tpu.memory_space<hbm>>) target(%dma_start3A_30 : memref<632x128xf32, #tpu.memory_space<vmem_shared>>) target_semaphore(%run_scoped3A : memref<!tpu.dma_semaphore, #tpu.memory_space<semaphore_mem>>)
        %dma_wait3A = arith.constant 0 : i32
        %dma_wait3A_31 = tpu.memref_slice %arg11[%mul3A_29, %dma_wait3A] : memref<10008x128xf32, #tpu.memory_space<vmem_shared>> -> memref<632x128xf32, #tpu.memory_space<vmem_shared>>
        tpu.wait_dma2 semaphore(%run_scoped3A : memref<!tpu.dma_semaphore, #tpu.memory_space<semaphore_mem>>) src(%arg5 : memref<632x128xf32, #tpu.memory_space<hbm>>) dst(%dma_wait3A_31 : memref<632x128xf32, #tpu.memory_space<vmem_shared>>)
        tpu.yield
      }) : () -> ()
    } else {
    }
    %eq3A = arith.constant 15 : i32
    %eq3A_3 = arith.cmpi eq, %arg1, %eq3A : i32
    %convert_element_type3A_4 = arith.extui %eq3A_3 : i1 to i32
    %cond3A_5 = arith.constant 0 : i32
    %cond3A_6 = arith.cmpi ne, %convert_element_type3A_4, %cond3A_5 : i32
    scf.if %cond3A_6 {
      %mul3A_28 = arith.constant 632 : i32
      %mul3A_29 = arith.muli %arg1, %mul3A_28 : i32
      "tpu.region"() ({
        %run_scoped3A = tpu.sem_alloc : memref<!tpu.dma_semaphore, #tpu.memory_space<semaphore_mem>>
        %dma_start3A = arith.constant 0 : i32
        %dma_start3A_30 = tpu.memref_slice %arg11[%mul3A_29, %dma_start3A] : memref<10008x128xf32, #tpu.memory_space<vmem_shared>> -> memref<528x128xf32, #tpu.memory_space<vmem_shared>>
        %dma_start3A_31 = arith.constant 0 : i32
        %dma_start3A_32 = arith.constant 0 : i32
        %dma_start3A_33 = tpu.memref_slice %arg5[%dma_start3A_31, %dma_start3A_32] : memref<632x128xf32, #tpu.memory_space<hbm>> -> memref<528x128xf32, #tpu.memory_space<hbm>>
        tpu.enqueue_dma source(%dma_start3A_33 : memref<528x128xf32, #tpu.memory_space<hbm>>) target(%dma_start3A_30 : memref<528x128xf32, #tpu.memory_space<vmem_shared>>) target_semaphore(%run_scoped3A : memref<!tpu.dma_semaphore, #tpu.memory_space<semaphore_mem>>)
        %dma_wait3A = arith.constant 0 : i32
        %dma_wait3A_34 = tpu.memref_slice %arg11[%mul3A_29, %dma_wait3A] : memref<10008x128xf32, #tpu.memory_space<vmem_shared>> -> memref<528x128xf32, #tpu.memory_space<vmem_shared>>
        %dma_wait3A_35 = arith.constant 0 : i32
        %dma_wait3A_36 = arith.constant 0 : i32
        %dma_wait3A_37 = tpu.memref_slice %arg5[%dma_wait3A_35, %dma_wait3A_36] : memref<632x128xf32, #tpu.memory_space<hbm>> -> memref<528x128xf32, #tpu.memory_space<hbm>>
        tpu.wait_dma2 semaphore(%run_scoped3A : memref<!tpu.dma_semaphore, #tpu.memory_space<semaphore_mem>>) src(%dma_wait3A_37 : memref<528x128xf32, #tpu.memory_space<hbm>>) dst(%dma_wait3A_34 : memref<528x128xf32, #tpu.memory_space<vmem_shared>>)
        tpu.yield
      }) : () -> ()
    } else {
    }
    %barrier3A = arith.constant 0 : index
    tpu.barrier barrier_id(%barrier3A)
    %eq3A_7 = arith.constant 0 : i32
    %eq3A_8 = arith.cmpi eq, %arg0, %eq3A_7 : i32
    %convert_element_type3A_9 = arith.extui %eq3A_8 : i1 to i32
    %cond3A_10 = arith.constant 0 : i32
    %cond3A_11 = arith.cmpi ne, %convert_element_type3A_9, %cond3A_10 : i32
    scf.if %cond3A_11 {
      %dma_start3A = arith.constant 0 : i32
      %dma_start3A_28 = arith.constant 0 : i32
      %dma_start3A_29 = tpu.memref_slice %arg4[%arg1, %dma_start3A, %dma_start3A_28] : memref<16x132x128xi32, #tpu.memory_space<hbm>> -> memref<1x1x128xi32, #tpu.memory_space<hbm>>
      %dma_start3A_30 = tpu.memref_squeeze %dma_start3A_29 : memref<1x1x128xi32, #tpu.memory_space<hbm>> -> memref<128xi32, #tpu.memory_space<hbm>>
      %dma_start3A_31 = arith.constant 0 : i32
      %dma_start3A_32 = tpu.memref_slice %arg4[%arg1, %dma_start3A, %dma_start3A_31] : memref<16x132x128xi32, #tpu.memory_space<hbm>> -> memref<1x1x128xi32, #tpu.memory_space<hbm>>
      %dma_start3A_33 = tpu.memref_squeeze %dma_start3A_32 : memref<1x1x128xi32, #tpu.memory_space<hbm>> -> memref<128xi32, #tpu.memory_space<hbm>>
      tpu.enqueue_dma source(%dma_start3A_33 : memref<128xi32, #tpu.memory_space<hbm>>) target(%arg7 : memref<128xi32, #tpu.memory_space<vmem>>) target_semaphore(%arg12 : memref<!tpu.dma_semaphore, #tpu.memory_space<semaphore_mem>>)
      %add3A = arith.constant 0 : i32
      %add3A_34 = arith.addi %mul3A_0, %add3A : i32
      %dma_start3A_35 = arith.constant 0 : i32
      %dma_start3A_36 = tpu.memref_slice %arg2[%add3A_34, %dma_start3A_35] : memref<270336x128xf32, #tpu.memory_space<hbm>> -> memref<128x128xf32, #tpu.memory_space<hbm>>
      %dma_start3A_37 = arith.constant 0 : i32
      %dma_start3A_38 = tpu.memref_slice %arg2[%add3A_34, %dma_start3A_37] : memref<270336x128xf32, #tpu.memory_space<hbm>> -> memref<128x128xf32, #tpu.memory_space<hbm>>
      tpu.enqueue_dma source(%dma_start3A_38 : memref<128x128xf32, #tpu.memory_space<hbm>>) target(%arg9 : memref<128x128xf32, #tpu.memory_space<vmem>>) target_semaphore(%arg12 : memref<!tpu.dma_semaphore, #tpu.memory_space<semaphore_mem>>)
      %scan3A = arith.constant 0 : i32
      %scan3A_39 = arith.constant 0 : i32
      %scan3A_40 = arith.constant 66 : i32
      %scan3A_41 = arith.addi %scan3A_39, %scan3A_40 : i32
      %scan3A_42 = arith.constant 1 : i32
      %scan3A_43 = scf.for %scan3A_45 = %scan3A_39 to %scan3A_41 step %scan3A_42 iter_args(%scan3A_46 = %scan3A) -> (i32)  : i32 {
        %dma_wait3A = arith.constant 0 : i32
        %dma_wait3A_47 = arith.constant 0 : i32
        %dma_wait3A_48 = tpu.memref_slice %arg4[%arg1, %dma_wait3A, %dma_wait3A_47] : memref<16x132x128xi32, #tpu.memory_space<hbm>> -> memref<1x1x128xi32, #tpu.memory_space<hbm>>
        %dma_wait3A_49 = tpu.memref_squeeze %dma_wait3A_48 : memref<1x1x128xi32, #tpu.memory_space<hbm>> -> memref<128xi32, #tpu.memory_space<hbm>>
        %dma_wait3A_50 = arith.constant 0 : i32
        %dma_wait3A_51 = tpu.memref_slice %arg4[%arg1, %dma_wait3A, %dma_wait3A_50] : memref<16x132x128xi32, #tpu.memory_space<hbm>> -> memref<1x1x128xi32, #tpu.memory_space<hbm>>
        %dma_wait3A_52 = tpu.memref_squeeze %dma_wait3A_51 : memref<1x1x128xi32, #tpu.memory_space<hbm>> -> memref<128xi32, #tpu.memory_space<hbm>>
        tpu.wait_dma2 semaphore(%arg12 : memref<!tpu.dma_semaphore, #tpu.memory_space<semaphore_mem>>) src(%dma_wait3A_52 : memref<128xi32, #tpu.memory_space<hbm>>) dst(%arg7 : memref<128xi32, #tpu.memory_space<vmem>>)
        %dma_wait3A_53 = arith.constant 0 : i32
        %dma_wait3A_54 = arith.constant 0 : i32
        %dma_wait3A_55 = tpu.memref_slice %arg2[%dma_wait3A_53, %dma_wait3A_54] : memref<270336x128xf32, #tpu.memory_space<hbm>> -> memref<128x128xf32, #tpu.memory_space<hbm>>
        %dma_wait3A_56 = arith.constant 0 : i32
        %dma_wait3A_57 = arith.constant 0 : i32
        %dma_wait3A_58 = tpu.memref_slice %arg2[%dma_wait3A_56, %dma_wait3A_57] : memref<270336x128xf32, #tpu.memory_space<hbm>> -> memref<128x128xf32, #tpu.memory_space<hbm>>
        tpu.wait_dma2 semaphore(%arg12 : memref<!tpu.dma_semaphore, #tpu.memory_space<semaphore_mem>>) src(%dma_wait3A_58 : memref<128x128xf32, #tpu.memory_space<hbm>>) dst(%arg9 : memref<128x128xf32, #tpu.memory_space<vmem>>)
        %mul3A_59 = arith.constant 2 : i32
        %mul3A_60 = arith.muli %mul3A_59, %scan3A_45 : i32
        %add3A_61 = arith.constant 1 : i32
        %add3A_62 = arith.addi %mul3A_60, %add3A_61 : i32
        %dma_start3A_63 = arith.constant 0 : i32
        %dma_start3A_64 = tpu.memref_slice %arg4[%arg1, %add3A_62, %dma_start3A_63] : memref<16x132x128xi32, #tpu.memory_space<hbm>> -> memref<1x1x128xi32, #tpu.memory_space<hbm>>
        %dma_start3A_65 = tpu.memref_squeeze %dma_start3A_64 : memref<1x1x128xi32, #tpu.memory_space<hbm>> -> memref<128xi32, #tpu.memory_space<hbm>>
        %dma_start3A_66 = arith.constant 0 : i32
        %dma_start3A_67 = tpu.memref_slice %arg4[%arg1, %add3A_62, %dma_start3A_66] : memref<16x132x128xi32, #tpu.memory_space<hbm>> -> memref<1x1x128xi32, #tpu.memory_space<hbm>>
        %dma_start3A_68 = tpu.memref_squeeze %dma_start3A_67 : memref<1x1x128xi32, #tpu.memory_space<hbm>> -> memref<128xi32, #tpu.memory_space<hbm>>
        tpu.enqueue_dma source(%dma_start3A_68 : memref<128xi32, #tpu.memory_space<hbm>>) target(%arg8 : memref<128xi32, #tpu.memory_space<vmem>>) target_semaphore(%arg13 : memref<!tpu.dma_semaphore, #tpu.memory_space<semaphore_mem>>)
        %mul3A_69 = arith.constant 128 : i32
        %mul3A_70 = arith.muli %add3A_62, %mul3A_69 : i32
        %add3A_71 = arith.addi %mul3A_0, %mul3A_70 : i32
        %dma_start3A_72 = arith.constant 0 : i32
        %dma_start3A_73 = tpu.memref_slice %arg2[%add3A_71, %dma_start3A_72] : memref<270336x128xf32, #tpu.memory_space<hbm>> -> memref<128x128xf32, #tpu.memory_space<hbm>>
        %dma_start3A_74 = arith.constant 0 : i32
        %dma_start3A_75 = tpu.memref_slice %arg2[%add3A_71, %dma_start3A_74] : memref<270336x128xf32, #tpu.memory_space<hbm>> -> memref<128x128xf32, #tpu.memory_space<hbm>>
        tpu.enqueue_dma source(%dma_start3A_75 : memref<128x128xf32, #tpu.memory_space<hbm>>) target(%arg10 : memref<128x128xf32, #tpu.memory_space<vmem>>) target_semaphore(%arg13 : memref<!tpu.dma_semaphore, #tpu.memory_space<semaphore_mem>>)
        "tpu.region"() ({
          %run_scoped3A = tpu.sem_alloc : memref<!tpu.dma_semaphore, #tpu.memory_space<semaphore_mem>>
          %dma_start3A_95 = arith.constant 0 : i32
          %dma_start3A_96 = arith.constant 0 : i32
          %dma_start3A_97 = tpu.memref_slice %arg11[%dma_start3A_95, %dma_start3A_96] : memref<10008x128xf32, #tpu.memory_space<vmem_shared>> -> memref<10008x128xf32, #tpu.memory_space<vmem_shared>>
          tpu.enqueue_indirect_dma source(%arg9 : memref<128x128xf32, #tpu.memory_space<vmem>>) target(%dma_start3A_97 : memref<10008x128xf32, #tpu.memory_space<vmem_shared>>) offsets(%arg7 : memref<128xi32, #tpu.memory_space<vmem>>) semaphore(%run_scoped3A : memref<!tpu.dma_semaphore, #tpu.memory_space<semaphore_mem>>) {add = true}
          %dma_wait3A_98 = arith.constant 0 : i32
          %dma_wait3A_99 = arith.constant 0 : i32
          %dma_wait3A_100 = tpu.memref_slice %arg11[%dma_wait3A_98, %dma_wait3A_99] : memref<10008x128xf32, #tpu.memory_space<vmem_shared>> -> memref<10008x128xf32, #tpu.memory_space<vmem_shared>>
          tpu.wait_indirect_dma semaphore(%run_scoped3A : memref<!tpu.dma_semaphore, #tpu.memory_space<semaphore_mem>>) src(%arg9 : memref<128x128xf32, #tpu.memory_space<vmem>>) dst(%dma_wait3A_100 : memref<10008x128xf32, #tpu.memory_space<vmem_shared>>)
          tpu.yield
        }) : () -> ()
        %dma_wait3A_76 = arith.constant 0 : i32
        %dma_wait3A_77 = arith.constant 0 : i32
        %dma_wait3A_78 = tpu.memref_slice %arg4[%arg1, %dma_wait3A_76, %dma_wait3A_77] : memref<16x132x128xi32, #tpu.memory_space<hbm>> -> memref<1x1x128xi32, #tpu.memory_space<hbm>>
        %dma_wait3A_79 = tpu.memref_squeeze %dma_wait3A_78 : memref<1x1x128xi32, #tpu.memory_space<hbm>> -> memref<128xi32, #tpu.memory_space<hbm>>
        %dma_wait3A_80 = arith.constant 0 : i32
        %dma_wait3A_81 = tpu.memref_slice %arg4[%arg1, %dma_wait3A_76, %dma_wait3A_80] : memref<16x132x128xi32, #tpu.memory_space<hbm>> -> memref<1x1x128xi32, #tpu.memory_space<hbm>>
        %dma_wait3A_82 = tpu.memref_squeeze %dma_wait3A_81 : memref<1x1x128xi32, #tpu.memory_space<hbm>> -> memref<128xi32, #tpu.memory_space<hbm>>
        tpu.wait_dma2 semaphore(%arg13 : memref<!tpu.dma_semaphore, #tpu.memory_space<semaphore_mem>>) src(%dma_wait3A_82 : memref<128xi32, #tpu.memory_space<hbm>>) dst(%arg8 : memref<128xi32, #tpu.memory_space<vmem>>)
        %dma_wait3A_83 = arith.constant 0 : i32
        %dma_wait3A_84 = arith.constant 0 : i32
        %dma_wait3A_85 = tpu.memref_slice %arg2[%dma_wait3A_83, %dma_wait3A_84] : memref<270336x128xf32, #tpu.memory_space<hbm>> -> memref<128x128xf32, #tpu.memory_space<hbm>>
        %dma_wait3A_86 = arith.constant 0 : i32
        %dma_wait3A_87 = arith.constant 0 : i32
        %dma_wait3A_88 = tpu.memref_slice %arg2[%dma_wait3A_86, %dma_wait3A_87] : memref<270336x128xf32, #tpu.memory_space<hbm>> -> memref<128x128xf32, #tpu.memory_space<hbm>>
        tpu.wait_dma2 semaphore(%arg13 : memref<!tpu.dma_semaphore, #tpu.memory_space<semaphore_mem>>) src(%dma_wait3A_88 : memref<128x128xf32, #tpu.memory_space<hbm>>) dst(%arg10 : memref<128x128xf32, #tpu.memory_space<vmem>>)
        %lt3A_89 = arith.constant 65 : i32
        %lt3A_90 = arith.cmpi slt, %scan3A_45, %lt3A_89 : i32
        %convert_element_type3A_91 = arith.extui %lt3A_90 : i1 to i32
        %cond3A_92 = arith.constant 0 : i32
        %cond3A_93 = arith.cmpi ne, %convert_element_type3A_91, %cond3A_92 : i32
        scf.if %cond3A_93 {
          %mul3A_95 = arith.constant 2 : i32
          %mul3A_96 = arith.muli %mul3A_95, %scan3A_45 : i32
          %add3A_97 = arith.constant 2 : i32
          %add3A_98 = arith.addi %mul3A_96, %add3A_97 : i32
          %dma_start3A_99 = arith.constant 0 : i32
          %dma_start3A_100 = tpu.memref_slice %arg4[%arg1, %add3A_98, %dma_start3A_99] : memref<16x132x128xi32, #tpu.memory_space<hbm>> -> memref<1x1x128xi32, #tpu.memory_space<hbm>>
          %dma_start3A_101 = tpu.memref_squeeze %dma_start3A_100 : memref<1x1x128xi32, #tpu.memory_space<hbm>> -> memref<128xi32, #tpu.memory_space<hbm>>
          %dma_start3A_102 = arith.constant 0 : i32
          %dma_start3A_103 = tpu.memref_slice %arg4[%arg1, %add3A_98, %dma_start3A_102] : memref<16x132x128xi32, #tpu.memory_space<hbm>> -> memref<1x1x128xi32, #tpu.memory_space<hbm>>
          %dma_start3A_104 = tpu.memref_squeeze %dma_start3A_103 : memref<1x1x128xi32, #tpu.memory_space<hbm>> -> memref<128xi32, #tpu.memory_space<hbm>>
          tpu.enqueue_dma source(%dma_start3A_104 : memref<128xi32, #tpu.memory_space<hbm>>) target(%arg7 : memref<128xi32, #tpu.memory_space<vmem>>) target_semaphore(%arg12 : memref<!tpu.dma_semaphore, #tpu.memory_space<semaphore_mem>>)
          %mul3A_105 = arith.constant 128 : i32
          %mul3A_106 = arith.muli %add3A_98, %mul3A_105 : i32
          %add3A_107 = arith.addi %mul3A_0, %mul3A_106 : i32
          %dma_start3A_108 = arith.constant 0 : i32
          %dma_start3A_109 = tpu.memref_slice %arg2[%add3A_107, %dma_start3A_108] : memref<270336x128xf32, #tpu.memory_space<hbm>> -> memref<128x128xf32, #tpu.memory_space<hbm>>
          %dma_start3A_110 = arith.constant 0 : i32
          %dma_start3A_111 = tpu.memref_slice %arg2[%add3A_107, %dma_start3A_110] : memref<270336x128xf32, #tpu.memory_space<hbm>> -> memref<128x128xf32, #tpu.memory_space<hbm>>
          tpu.enqueue_dma source(%dma_start3A_111 : memref<128x128xf32, #tpu.memory_space<hbm>>) target(%arg9 : memref<128x128xf32, #tpu.memory_space<vmem>>) target_semaphore(%arg12 : memref<!tpu.dma_semaphore, #tpu.memory_space<semaphore_mem>>)
        } else {
        }
        "tpu.region"() ({
          %run_scoped3A = tpu.sem_alloc : memref<!tpu.dma_semaphore, #tpu.memory_space<semaphore_mem>>
          %dma_start3A_95 = arith.constant 0 : i32
          %dma_start3A_96 = arith.constant 0 : i32
          %dma_start3A_97 = tpu.memref_slice %arg11[%dma_start3A_95, %dma_start3A_96] : memref<10008x128xf32, #tpu.memory_space<vmem_shared>> -> memref<10008x128xf32, #tpu.memory_space<vmem_shared>>
          tpu.enqueue_indirect_dma source(%arg10 : memref<128x128xf32, #tpu.memory_space<vmem>>) target(%dma_start3A_97 : memref<10008x128xf32, #tpu.memory_space<vmem_shared>>) offsets(%arg8 : memref<128xi32, #tpu.memory_space<vmem>>) semaphore(%run_scoped3A : memref<!tpu.dma_semaphore, #tpu.memory_space<semaphore_mem>>) {add = true}
          %dma_wait3A_98 = arith.constant 0 : i32
          %dma_wait3A_99 = arith.constant 0 : i32
          %dma_wait3A_100 = tpu.memref_slice %arg11[%dma_wait3A_98, %dma_wait3A_99] : memref<10008x128xf32, #tpu.memory_space<vmem_shared>> -> memref<10008x128xf32, #tpu.memory_space<vmem_shared>>
          tpu.wait_indirect_dma semaphore(%run_scoped3A : memref<!tpu.dma_semaphore, #tpu.memory_space<semaphore_mem>>) src(%arg10 : memref<128x128xf32, #tpu.memory_space<vmem>>) dst(%dma_wait3A_100 : memref<10008x128xf32, #tpu.memory_space<vmem_shared>>)
          tpu.yield
        }) : () -> ()
        %scan3A_94 = arith.constant 0 : i32
        scf.yield %scan3A_94 : i32
      }
      %scan3A_44 = arith.constant 66 : i32
    } else {
    }
    %eq3A_12 = arith.constant 1 : i32
    %eq3A_13 = arith.cmpi eq, %arg0, %eq3A_12 : i32
    %convert_element_type3A_14 = arith.extui %eq3A_13 : i1 to i32
    %cond3A_15 = arith.constant 0 : i32
    %cond3A_16 = arith.cmpi ne, %convert_element_type3A_14, %cond3A_15 : i32
    scf.if %cond3A_16 {
      %dma_start3A = arith.constant 0 : i32
      %dma_start3A_28 = arith.constant 0 : i32
      %dma_start3A_29 = tpu.memref_slice %arg4[%arg1, %dma_start3A, %dma_start3A_28] : memref<16x132x128xi32, #tpu.memory_space<hbm>> -> memref<1x1x128xi32, #tpu.memory_space<hbm>>
      %dma_start3A_30 = tpu.memref_squeeze %dma_start3A_29 : memref<1x1x128xi32, #tpu.memory_space<hbm>> -> memref<128xi32, #tpu.memory_space<hbm>>
      %dma_start3A_31 = arith.constant 0 : i32
      %dma_start3A_32 = tpu.memref_slice %arg4[%arg1, %dma_start3A, %dma_start3A_31] : memref<16x132x128xi32, #tpu.memory_space<hbm>> -> memref<1x1x128xi32, #tpu.memory_space<hbm>>
      %dma_start3A_33 = tpu.memref_squeeze %dma_start3A_32 : memref<1x1x128xi32, #tpu.memory_space<hbm>> -> memref<128xi32, #tpu.memory_space<hbm>>
      tpu.enqueue_dma source(%dma_start3A_33 : memref<128xi32, #tpu.memory_space<hbm>>) target(%arg7 : memref<128xi32, #tpu.memory_space<vmem>>) target_semaphore(%arg12 : memref<!tpu.dma_semaphore, #tpu.memory_space<semaphore_mem>>)
      %add3A = arith.constant 0 : i32
      %add3A_34 = arith.addi %mul3A_0, %add3A : i32
      %dma_start3A_35 = arith.constant 0 : i32
      %dma_start3A_36 = tpu.memref_slice %arg3[%add3A_34, %dma_start3A_35] : memref<270336x128xf32, #tpu.memory_space<hbm>> -> memref<128x128xf32, #tpu.memory_space<hbm>>
      %dma_start3A_37 = arith.constant 0 : i32
      %dma_start3A_38 = tpu.memref_slice %arg3[%add3A_34, %dma_start3A_37] : memref<270336x128xf32, #tpu.memory_space<hbm>> -> memref<128x128xf32, #tpu.memory_space<hbm>>
      tpu.enqueue_dma source(%dma_start3A_38 : memref<128x128xf32, #tpu.memory_space<hbm>>) target(%arg9 : memref<128x128xf32, #tpu.memory_space<vmem>>) target_semaphore(%arg12 : memref<!tpu.dma_semaphore, #tpu.memory_space<semaphore_mem>>)
      %scan3A = arith.constant 0 : i32
      %scan3A_39 = arith.constant 0 : i32
      %scan3A_40 = arith.constant 66 : i32
      %scan3A_41 = arith.addi %scan3A_39, %scan3A_40 : i32
      %scan3A_42 = arith.constant 1 : i32
      %scan3A_43 = scf.for %scan3A_45 = %scan3A_39 to %scan3A_41 step %scan3A_42 iter_args(%scan3A_46 = %scan3A) -> (i32)  : i32 {
        %dma_wait3A = arith.constant 0 : i32
        %dma_wait3A_47 = arith.constant 0 : i32
        %dma_wait3A_48 = tpu.memref_slice %arg4[%arg1, %dma_wait3A, %dma_wait3A_47] : memref<16x132x128xi32, #tpu.memory_space<hbm>> -> memref<1x1x128xi32, #tpu.memory_space<hbm>>
        %dma_wait3A_49 = tpu.memref_squeeze %dma_wait3A_48 : memref<1x1x128xi32, #tpu.memory_space<hbm>> -> memref<128xi32, #tpu.memory_space<hbm>>
        %dma_wait3A_50 = arith.constant 0 : i32
        %dma_wait3A_51 = tpu.memref_slice %arg4[%arg1, %dma_wait3A, %dma_wait3A_50] : memref<16x132x128xi32, #tpu.memory_space<hbm>> -> memref<1x1x128xi32, #tpu.memory_space<hbm>>
        %dma_wait3A_52 = tpu.memref_squeeze %dma_wait3A_51 : memref<1x1x128xi32, #tpu.memory_space<hbm>> -> memref<128xi32, #tpu.memory_space<hbm>>
        tpu.wait_dma2 semaphore(%arg12 : memref<!tpu.dma_semaphore, #tpu.memory_space<semaphore_mem>>) src(%dma_wait3A_52 : memref<128xi32, #tpu.memory_space<hbm>>) dst(%arg7 : memref<128xi32, #tpu.memory_space<vmem>>)
        %dma_wait3A_53 = arith.constant 0 : i32
        %dma_wait3A_54 = arith.constant 0 : i32
        %dma_wait3A_55 = tpu.memref_slice %arg3[%dma_wait3A_53, %dma_wait3A_54] : memref<270336x128xf32, #tpu.memory_space<hbm>> -> memref<128x128xf32, #tpu.memory_space<hbm>>
        %dma_wait3A_56 = arith.constant 0 : i32
        %dma_wait3A_57 = arith.constant 0 : i32
        %dma_wait3A_58 = tpu.memref_slice %arg3[%dma_wait3A_56, %dma_wait3A_57] : memref<270336x128xf32, #tpu.memory_space<hbm>> -> memref<128x128xf32, #tpu.memory_space<hbm>>
        tpu.wait_dma2 semaphore(%arg12 : memref<!tpu.dma_semaphore, #tpu.memory_space<semaphore_mem>>) src(%dma_wait3A_58 : memref<128x128xf32, #tpu.memory_space<hbm>>) dst(%arg9 : memref<128x128xf32, #tpu.memory_space<vmem>>)
        %mul3A_59 = arith.constant 2 : i32
        %mul3A_60 = arith.muli %mul3A_59, %scan3A_45 : i32
        %add3A_61 = arith.constant 1 : i32
        %add3A_62 = arith.addi %mul3A_60, %add3A_61 : i32
        %dma_start3A_63 = arith.constant 0 : i32
        %dma_start3A_64 = tpu.memref_slice %arg4[%arg1, %add3A_62, %dma_start3A_63] : memref<16x132x128xi32, #tpu.memory_space<hbm>> -> memref<1x1x128xi32, #tpu.memory_space<hbm>>
        %dma_start3A_65 = tpu.memref_squeeze %dma_start3A_64 : memref<1x1x128xi32, #tpu.memory_space<hbm>> -> memref<128xi32, #tpu.memory_space<hbm>>
        %dma_start3A_66 = arith.constant 0 : i32
        %dma_start3A_67 = tpu.memref_slice %arg4[%arg1, %add3A_62, %dma_start3A_66] : memref<16x132x128xi32, #tpu.memory_space<hbm>> -> memref<1x1x128xi32, #tpu.memory_space<hbm>>
        %dma_start3A_68 = tpu.memref_squeeze %dma_start3A_67 : memref<1x1x128xi32, #tpu.memory_space<hbm>> -> memref<128xi32, #tpu.memory_space<hbm>>
        tpu.enqueue_dma source(%dma_start3A_68 : memref<128xi32, #tpu.memory_space<hbm>>) target(%arg8 : memref<128xi32, #tpu.memory_space<vmem>>) target_semaphore(%arg13 : memref<!tpu.dma_semaphore, #tpu.memory_space<semaphore_mem>>)
        %mul3A_69 = arith.constant 128 : i32
        %mul3A_70 = arith.muli %add3A_62, %mul3A_69 : i32
        %add3A_71 = arith.addi %mul3A_0, %mul3A_70 : i32
        %dma_start3A_72 = arith.constant 0 : i32
        %dma_start3A_73 = tpu.memref_slice %arg3[%add3A_71, %dma_start3A_72] : memref<270336x128xf32, #tpu.memory_space<hbm>> -> memref<128x128xf32, #tpu.memory_space<hbm>>
        %dma_start3A_74 = arith.constant 0 : i32
        %dma_start3A_75 = tpu.memref_slice %arg3[%add3A_71, %dma_start3A_74] : memref<270336x128xf32, #tpu.memory_space<hbm>> -> memref<128x128xf32, #tpu.memory_space<hbm>>
        tpu.enqueue_dma source(%dma_start3A_75 : memref<128x128xf32, #tpu.memory_space<hbm>>) target(%arg10 : memref<128x128xf32, #tpu.memory_space<vmem>>) target_semaphore(%arg13 : memref<!tpu.dma_semaphore, #tpu.memory_space<semaphore_mem>>)
        "tpu.region"() ({
          %run_scoped3A = tpu.sem_alloc : memref<!tpu.dma_semaphore, #tpu.memory_space<semaphore_mem>>
          %dma_start3A_95 = arith.constant 0 : i32
          %dma_start3A_96 = arith.constant 0 : i32
          %dma_start3A_97 = tpu.memref_slice %arg11[%dma_start3A_95, %dma_start3A_96] : memref<10008x128xf32, #tpu.memory_space<vmem_shared>> -> memref<10008x128xf32, #tpu.memory_space<vmem_shared>>
          tpu.enqueue_indirect_dma source(%arg9 : memref<128x128xf32, #tpu.memory_space<vmem>>) target(%dma_start3A_97 : memref<10008x128xf32, #tpu.memory_space<vmem_shared>>) offsets(%arg7 : memref<128xi32, #tpu.memory_space<vmem>>) semaphore(%run_scoped3A : memref<!tpu.dma_semaphore, #tpu.memory_space<semaphore_mem>>) {add = true}
          %dma_wait3A_98 = arith.constant 0 : i32
          %dma_wait3A_99 = arith.constant 0 : i32
          %dma_wait3A_100 = tpu.memref_slice %arg11[%dma_wait3A_98, %dma_wait3A_99] : memref<10008x128xf32, #tpu.memory_space<vmem_shared>> -> memref<10008x128xf32, #tpu.memory_space<vmem_shared>>
          tpu.wait_indirect_dma semaphore(%run_scoped3A : memref<!tpu.dma_semaphore, #tpu.memory_space<semaphore_mem>>) src(%arg9 : memref<128x128xf32, #tpu.memory_space<vmem>>) dst(%dma_wait3A_100 : memref<10008x128xf32, #tpu.memory_space<vmem_shared>>)
          tpu.yield
        }) : () -> ()
        %dma_wait3A_76 = arith.constant 0 : i32
        %dma_wait3A_77 = arith.constant 0 : i32
        %dma_wait3A_78 = tpu.memref_slice %arg4[%arg1, %dma_wait3A_76, %dma_wait3A_77] : memref<16x132x128xi32, #tpu.memory_space<hbm>> -> memref<1x1x128xi32, #tpu.memory_space<hbm>>
        %dma_wait3A_79 = tpu.memref_squeeze %dma_wait3A_78 : memref<1x1x128xi32, #tpu.memory_space<hbm>> -> memref<128xi32, #tpu.memory_space<hbm>>
        %dma_wait3A_80 = arith.constant 0 : i32
        %dma_wait3A_81 = tpu.memref_slice %arg4[%arg1, %dma_wait3A_76, %dma_wait3A_80] : memref<16x132x128xi32, #tpu.memory_space<hbm>> -> memref<1x1x128xi32, #tpu.memory_space<hbm>>
        %dma_wait3A_82 = tpu.memref_squeeze %dma_wait3A_81 : memref<1x1x128xi32, #tpu.memory_space<hbm>> -> memref<128xi32, #tpu.memory_space<hbm>>
        tpu.wait_dma2 semaphore(%arg13 : memref<!tpu.dma_semaphore, #tpu.memory_space<semaphore_mem>>) src(%dma_wait3A_82 : memref<128xi32, #tpu.memory_space<hbm>>) dst(%arg8 : memref<128xi32, #tpu.memory_space<vmem>>)
        %dma_wait3A_83 = arith.constant 0 : i32
        %dma_wait3A_84 = arith.constant 0 : i32
        %dma_wait3A_85 = tpu.memref_slice %arg3[%dma_wait3A_83, %dma_wait3A_84] : memref<270336x128xf32, #tpu.memory_space<hbm>> -> memref<128x128xf32, #tpu.memory_space<hbm>>
        %dma_wait3A_86 = arith.constant 0 : i32
        %dma_wait3A_87 = arith.constant 0 : i32
        %dma_wait3A_88 = tpu.memref_slice %arg3[%dma_wait3A_86, %dma_wait3A_87] : memref<270336x128xf32, #tpu.memory_space<hbm>> -> memref<128x128xf32, #tpu.memory_space<hbm>>
        tpu.wait_dma2 semaphore(%arg13 : memref<!tpu.dma_semaphore, #tpu.memory_space<semaphore_mem>>) src(%dma_wait3A_88 : memref<128x128xf32, #tpu.memory_space<hbm>>) dst(%arg10 : memref<128x128xf32, #tpu.memory_space<vmem>>)
        %lt3A_89 = arith.constant 65 : i32
        %lt3A_90 = arith.cmpi slt, %scan3A_45, %lt3A_89 : i32
        %convert_element_type3A_91 = arith.extui %lt3A_90 : i1 to i32
        %cond3A_92 = arith.constant 0 : i32
        %cond3A_93 = arith.cmpi ne, %convert_element_type3A_91, %cond3A_92 : i32
        scf.if %cond3A_93 {
          %mul3A_95 = arith.constant 2 : i32
          %mul3A_96 = arith.muli %mul3A_95, %scan3A_45 : i32
          %add3A_97 = arith.constant 2 : i32
          %add3A_98 = arith.addi %mul3A_96, %add3A_97 : i32
          %dma_start3A_99 = arith.constant 0 : i32
          %dma_start3A_100 = tpu.memref_slice %arg4[%arg1, %add3A_98, %dma_start3A_99] : memref<16x132x128xi32, #tpu.memory_space<hbm>> -> memref<1x1x128xi32, #tpu.memory_space<hbm>>
          %dma_start3A_101 = tpu.memref_squeeze %dma_start3A_100 : memref<1x1x128xi32, #tpu.memory_space<hbm>> -> memref<128xi32, #tpu.memory_space<hbm>>
          %dma_start3A_102 = arith.constant 0 : i32
          %dma_start3A_103 = tpu.memref_slice %arg4[%arg1, %add3A_98, %dma_start3A_102] : memref<16x132x128xi32, #tpu.memory_space<hbm>> -> memref<1x1x128xi32, #tpu.memory_space<hbm>>
          %dma_start3A_104 = tpu.memref_squeeze %dma_start3A_103 : memref<1x1x128xi32, #tpu.memory_space<hbm>> -> memref<128xi32, #tpu.memory_space<hbm>>
          tpu.enqueue_dma source(%dma_start3A_104 : memref<128xi32, #tpu.memory_space<hbm>>) target(%arg7 : memref<128xi32, #tpu.memory_space<vmem>>) target_semaphore(%arg12 : memref<!tpu.dma_semaphore, #tpu.memory_space<semaphore_mem>>)
          %mul3A_105 = arith.constant 128 : i32
          %mul3A_106 = arith.muli %add3A_98, %mul3A_105 : i32
          %add3A_107 = arith.addi %mul3A_0, %mul3A_106 : i32
          %dma_start3A_108 = arith.constant 0 : i32
          %dma_start3A_109 = tpu.memref_slice %arg3[%add3A_107, %dma_start3A_108] : memref<270336x128xf32, #tpu.memory_space<hbm>> -> memref<128x128xf32, #tpu.memory_space<hbm>>
          %dma_start3A_110 = arith.constant 0 : i32
          %dma_start3A_111 = tpu.memref_slice %arg3[%add3A_107, %dma_start3A_110] : memref<270336x128xf32, #tpu.memory_space<hbm>> -> memref<128x128xf32, #tpu.memory_space<hbm>>
          tpu.enqueue_dma source(%dma_start3A_111 : memref<128x128xf32, #tpu.memory_space<hbm>>) target(%arg9 : memref<128x128xf32, #tpu.memory_space<vmem>>) target_semaphore(%arg12 : memref<!tpu.dma_semaphore, #tpu.memory_space<semaphore_mem>>)
        } else {
        }
        "tpu.region"() ({
          %run_scoped3A = tpu.sem_alloc : memref<!tpu.dma_semaphore, #tpu.memory_space<semaphore_mem>>
          %dma_start3A_95 = arith.constant 0 : i32
          %dma_start3A_96 = arith.constant 0 : i32
          %dma_start3A_97 = tpu.memref_slice %arg11[%dma_start3A_95, %dma_start3A_96] : memref<10008x128xf32, #tpu.memory_space<vmem_shared>> -> memref<10008x128xf32, #tpu.memory_space<vmem_shared>>
          tpu.enqueue_indirect_dma source(%arg10 : memref<128x128xf32, #tpu.memory_space<vmem>>) target(%dma_start3A_97 : memref<10008x128xf32, #tpu.memory_space<vmem_shared>>) offsets(%arg8 : memref<128xi32, #tpu.memory_space<vmem>>) semaphore(%run_scoped3A : memref<!tpu.dma_semaphore, #tpu.memory_space<semaphore_mem>>) {add = true}
          %dma_wait3A_98 = arith.constant 0 : i32
          %dma_wait3A_99 = arith.constant 0 : i32
          %dma_wait3A_100 = tpu.memref_slice %arg11[%dma_wait3A_98, %dma_wait3A_99] : memref<10008x128xf32, #tpu.memory_space<vmem_shared>> -> memref<10008x128xf32, #tpu.memory_space<vmem_shared>>
          tpu.wait_indirect_dma semaphore(%run_scoped3A : memref<!tpu.dma_semaphore, #tpu.memory_space<semaphore_mem>>) src(%arg10 : memref<128x128xf32, #tpu.memory_space<vmem>>) dst(%dma_wait3A_100 : memref<10008x128xf32, #tpu.memory_space<vmem_shared>>)
          tpu.yield
        }) : () -> ()
        %scan3A_94 = arith.constant 0 : i32
        scf.yield %scan3A_94 : i32
      }
      %scan3A_44 = arith.constant 66 : i32
    } else {
    }
    %barrier3A_17 = arith.constant 0 : index
    tpu.barrier barrier_id(%barrier3A_17)
    %lt3A_18 = arith.constant 15 : i32
    %lt3A_19 = arith.cmpi slt, %arg1, %lt3A_18 : i32
    %convert_element_type3A_20 = arith.extui %lt3A_19 : i1 to i32
    %cond3A_21 = arith.constant 0 : i32
    %cond3A_22 = arith.cmpi ne, %convert_element_type3A_20, %cond3A_21 : i32
    scf.if %cond3A_22 {
      %mul3A_28 = arith.constant 632 : i32
      %mul3A_29 = arith.muli %arg1, %mul3A_28 : i32
      %mul3A_30 = arith.constant 632 : i32
      %mul3A_31 = arith.muli %arg1, %mul3A_30 : i32
      "tpu.region"() ({
        %run_scoped3A = tpu.sem_alloc : memref<!tpu.dma_semaphore, #tpu.memory_space<semaphore_mem>>
        %dma_start3A = arith.constant 0 : i32
        %dma_start3A_32 = tpu.memref_slice %arg6[%arg0, %mul3A_31, %dma_start3A] : memref<2x10008x128xf32, #tpu.memory_space<hbm>> -> memref<1x632x128xf32, #tpu.memory_space<hbm>>
        %dma_start3A_33 = tpu.memref_squeeze %dma_start3A_32 : memref<1x632x128xf32, #tpu.memory_space<hbm>> -> memref<632x128xf32, #tpu.memory_space<hbm>>
        %dma_start3A_34 = arith.constant 0 : i32
        %dma_start3A_35 = tpu.memref_slice %arg11[%mul3A_29, %dma_start3A_34] : memref<10008x128xf32, #tpu.memory_space<vmem_shared>> -> memref<632x128xf32, #tpu.memory_space<vmem_shared>>
        tpu.enqueue_dma source(%dma_start3A_35 : memref<632x128xf32, #tpu.memory_space<vmem_shared>>) target(%dma_start3A_33 : memref<632x128xf32, #tpu.memory_space<hbm>>) target_semaphore(%run_scoped3A : memref<!tpu.dma_semaphore, #tpu.memory_space<semaphore_mem>>)
        %dma_wait3A = arith.constant 0 : i32
        %dma_wait3A_36 = tpu.memref_slice %arg6[%arg0, %mul3A_31, %dma_wait3A] : memref<2x10008x128xf32, #tpu.memory_space<hbm>> -> memref<1x632x128xf32, #tpu.memory_space<hbm>>
        %dma_wait3A_37 = tpu.memref_squeeze %dma_wait3A_36 : memref<1x632x128xf32, #tpu.memory_space<hbm>> -> memref<632x128xf32, #tpu.memory_space<hbm>>
        %dma_wait3A_38 = arith.constant 0 : i32
        %dma_wait3A_39 = tpu.memref_slice %arg11[%mul3A_29, %dma_wait3A_38] : memref<10008x128xf32, #tpu.memory_space<vmem_shared>> -> memref<632x128xf32, #tpu.memory_space<vmem_shared>>
        tpu.wait_dma2 semaphore(%run_scoped3A : memref<!tpu.dma_semaphore, #tpu.memory_space<semaphore_mem>>) src(%dma_wait3A_39 : memref<632x128xf32, #tpu.memory_space<vmem_shared>>) dst(%dma_wait3A_37 : memref<632x128xf32, #tpu.memory_space<hbm>>)
        tpu.yield
      }) : () -> ()
    } else {
    }
    %eq3A_23 = arith.constant 15 : i32
    %eq3A_24 = arith.cmpi eq, %arg1, %eq3A_23 : i32
    %convert_element_type3A_25 = arith.extui %eq3A_24 : i1 to i32
    %cond3A_26 = arith.constant 0 : i32
    %cond3A_27 = arith.cmpi ne, %convert_element_type3A_25, %cond3A_26 : i32
    scf.if %cond3A_27 {
      %mul3A_28 = arith.constant 632 : i32
      %mul3A_29 = arith.muli %arg1, %mul3A_28 : i32
      %mul3A_30 = arith.constant 632 : i32
      %mul3A_31 = arith.muli %arg1, %mul3A_30 : i32
      "tpu.region"() ({
        %run_scoped3A = tpu.sem_alloc : memref<!tpu.dma_semaphore, #tpu.memory_space<semaphore_mem>>
        %dma_start3A = arith.constant 0 : i32
        %dma_start3A_32 = tpu.memref_slice %arg6[%arg0, %mul3A_31, %dma_start3A] : memref<2x10008x128xf32, #tpu.memory_space<hbm>> -> memref<1x528x128xf32, #tpu.memory_space<hbm>>
        %dma_start3A_33 = tpu.memref_squeeze %dma_start3A_32 : memref<1x528x128xf32, #tpu.memory_space<hbm>> -> memref<528x128xf32, #tpu.memory_space<hbm>>
        %dma_start3A_34 = arith.constant 0 : i32
        %dma_start3A_35 = tpu.memref_slice %arg11[%mul3A_29, %dma_start3A_34] : memref<10008x128xf32, #tpu.memory_space<vmem_shared>> -> memref<528x128xf32, #tpu.memory_space<vmem_shared>>
        tpu.enqueue_dma source(%dma_start3A_35 : memref<528x128xf32, #tpu.memory_space<vmem_shared>>) target(%dma_start3A_33 : memref<528x128xf32, #tpu.memory_space<hbm>>) target_semaphore(%run_scoped3A : memref<!tpu.dma_semaphore, #tpu.memory_space<semaphore_mem>>)
        %dma_wait3A = arith.constant 0 : i32
        %dma_wait3A_36 = tpu.memref_slice %arg6[%arg0, %mul3A_31, %dma_wait3A] : memref<2x10008x128xf32, #tpu.memory_space<hbm>> -> memref<1x528x128xf32, #tpu.memory_space<hbm>>
        %dma_wait3A_37 = tpu.memref_squeeze %dma_wait3A_36 : memref<1x528x128xf32, #tpu.memory_space<hbm>> -> memref<528x128xf32, #tpu.memory_space<hbm>>
        %dma_wait3A_38 = arith.constant 0 : i32
        %dma_wait3A_39 = tpu.memref_slice %arg11[%mul3A_29, %dma_wait3A_38] : memref<10008x128xf32, #tpu.memory_space<vmem_shared>> -> memref<528x128xf32, #tpu.memory_space<vmem_shared>>
        tpu.wait_dma2 semaphore(%run_scoped3A : memref<!tpu.dma_semaphore, #tpu.memory_space<semaphore_mem>>) src(%dma_wait3A_39 : memref<528x128xf32, #tpu.memory_space<vmem_shared>>) dst(%dma_wait3A_37 : memref<528x128xf32, #tpu.memory_space<hbm>>)
        tpu.yield
      }) : () -> ()
    } else {
    }
    return
  }
}

module attributes {stable_mosaic.version = 14 : i64} {
  func.func @body(%arg0: i32, %arg1: memref<10000x256xbf16, #tpu.memory_space<vmem>>, %arg2: memref<1x256x256xbf16, #tpu.memory_space<vmem>>, %arg3: memref<10000x128xf32, #tpu.memory_space<vmem>>, %arg4: memref<10000x128xf32, #tpu.memory_space<vmem>>) attributes {dimension_semantics = [#tpu.dimension_semantics<arbitrary>], iteration_bounds = array<i64: 27>, scalar_prefetch = 0 : i64, scratch_operands = 0 : i64, tpu.core_type = #tpu.core_type<tc>, window_params = [{pipeline_mode = #tpu.pipeline_mode<synchronous>, transform_indices = @transform_0, window_bounds = array<i64: 10000, 256>}, {transform_indices = @transform_1, window_bounds = array<i64: 1, 256, 256>}, {transform_indices = @transform_2, window_bounds = array<i64: 10000, 128>}, {transform_indices = @transform_3, window_bounds = array<i64: 10000, 128>}]} {
    %get3A = arith.constant 0 : index
    %get3A_0 = arith.constant 0 : index
    %get3A_1 = vector.load %arg1[%get3A, %get3A_0] : memref<10000x256xbf16, #tpu.memory_space<vmem>>, vector<10000x256xbf16>
    %get3A_2 = arith.constant 0 : index
    %get3A_3 = arith.constant 0 : index
    %get3A_4 = arith.constant 0 : index
    %get3A_5 = vector.load %arg2[%get3A_2, %get3A_3, %get3A_4] : memref<1x256x256xbf16, #tpu.memory_space<vmem>>, vector<1x256x256xbf16>
    %get3A_6 = vector.shape_cast %get3A_5 : vector<1x256x256xbf16> to vector<256x256xbf16>
    %dot_general3A = arith.constant dense<0.000000e+00> : vector<10000x256xf32>
    %dot_general3A_7 = tpu.matmul %get3A_1, %get3A_6, %dot_general3A {dimension_numbers = #tpu.dot_dimension_numbers<[1], [0], [0], [1], [0, 0, 1, 1], [], []>, transpose_lhs_hint = false} : vector<10000x256xbf16>, vector<256x256xbf16>, vector<10000x256xf32> -> vector<10000x256xf32>
    %slice3A = vector.extract_strided_slice %dot_general3A_7 {offsets = [0, 0], sizes = [10000, 128], strides = [1, 1]} : vector<10000x256xf32> to vector<10000x128xf32>
    %swap3A = arith.constant 0 : index
    %swap3A_8 = arith.constant 0 : index
    %swap3A_9 = vector.load %arg3[%swap3A, %swap3A_8] : memref<10000x128xf32, #tpu.memory_space<vmem>>, vector<10000x128xf32>
    tpu.vector_store %arg3[%swap3A, %swap3A_8], %slice3A {strides = array<i32>} : memref<10000x128xf32, #tpu.memory_space<vmem>>, vector<10000x128xf32>,
    %slice3A_10 = vector.extract_strided_slice %dot_general3A_7 {offsets = [0, 128], sizes = [10000, 128], strides = [1, 1]} : vector<10000x256xf32> to vector<10000x128xf32>
    %swap3A_11 = arith.constant 0 : index
    %swap3A_12 = arith.constant 0 : index
    %swap3A_13 = vector.load %arg4[%swap3A_11, %swap3A_12] : memref<10000x128xf32, #tpu.memory_space<vmem>>, vector<10000x128xf32>
    tpu.vector_store %arg4[%swap3A_11, %swap3A_12], %slice3A_10 {strides = array<i32>} : memref<10000x128xf32, #tpu.memory_space<vmem>>, vector<10000x128xf32>,
    return
  }
  func.func @transform_0(%arg0: i32) -> (i32, i32) {
    %c0_i32 = arith.constant 0 : i32
    %c0_i32_0 = arith.constant 0 : i32
    %c0_i32_1 = arith.constant 0 : i32
    return %c0_i32, %c0_i32_0 : i32, i32
  }
  func.func @transform_1(%arg0: i32) -> (i32, i32, i32) {
    %c0_i32 = arith.constant 0 : i32
    %c0_i32_0 = arith.constant 0 : i32
    %c0_i32_1 = arith.constant 0 : i32
    return %arg0, %c0_i32, %c0_i32_0 : i32, i32, i32
  }
  func.func @transform_2(%arg0: i32) -> (i32, i32) {
    %c0_i32 = arith.constant 0 : i32
    %c0_i32_0 = arith.constant 0 : i32
    return %arg0, %c0_i32 : i32, i32
  }
  func.func @transform_3(%arg0: i32) -> (i32, i32) {
    %c0_i32 = arith.constant 0 : i32
    %c0_i32_0 = arith.constant 0 : i32
    return %arg0, %c0_i32 : i32, i32
  }
}

module attributes {stable_mosaic.version = 14 : i64} {
  func.func @body(%arg0: memref<2x10008x128xf32, #tpu.memory_space<vmem>>, %arg1: memref<1x256xf32, #tpu.memory_space<vmem>>, %arg2: memref<1x256xf32, #tpu.memory_space<vmem>>, %arg3: memref<10000x256xf32, #tpu.memory_space<vmem>>) attributes {dimension_semantics = [], scalar_prefetch = 0 : i64, scratch_operands = 0 : i64, tpu.core_type = #tpu.core_type<tc>} {
    %get3A = arith.constant 0 : index
    %get3A_0 = arith.constant 0 : index
    %get3A_1 = arith.constant 0 : index
    %get3A_2 = vector.load %arg0[%get3A, %get3A_0, %get3A_1] : memref<2x10008x128xf32, #tpu.memory_space<vmem>>, vector<1x10000x128xf32>
    %get3A_3 = vector.shape_cast %get3A_2 : vector<1x10000x128xf32> to vector<10000x128xf32>
    %get3A_4 = arith.constant 1 : index
    %get3A_5 = arith.constant 0 : index
    %get3A_6 = arith.constant 0 : index
    %get3A_7 = vector.load %arg0[%get3A_4, %get3A_5, %get3A_6] : memref<2x10008x128xf32, #tpu.memory_space<vmem>>, vector<1x10000x128xf32>
    %get3A_8 = vector.shape_cast %get3A_7 : vector<1x10000x128xf32> to vector<10000x128xf32>
    %concatenate3A = tpu.concatenate %get3A_3, %get3A_8 in 1 : vector<10000x128xf32>, vector<10000x128xf32> -> vector<10000x256xf32>
    %reduce_sum3A = arith.constant dense<0.000000e+00> : vector<256xf32>
    %reduce_sum3A_9 = vector.multi_reduction <add>, %concatenate3A, %reduce_sum3A [0] : vector<10000x256xf32> to vector<256xf32>
    %broadcast_in_dim3A = vector.shape_cast %reduce_sum3A_9 : vector<256xf32> to vector<1x256xf32>
    %div3A = arith.constant 1.000000e+04 : f32
    %div3A_10 = vector.broadcast %div3A : f32 to vector<1x256xf32>
    %div3A_11 = arith.divf %broadcast_in_dim3A, %div3A_10 : vector<1x256xf32>
    %sub3A = vector.broadcast %div3A_11 : vector<1x256xf32> to vector<10000x256xf32>
    %sub3A_12 = arith.subf %concatenate3A, %sub3A : vector<10000x256xf32>
    %integer_pow3A = arith.mulf %sub3A_12, %sub3A_12 : vector<10000x256xf32>
    %reduce_sum3A_13 = arith.constant dense<0.000000e+00> : vector<256xf32>
    %reduce_sum3A_14 = vector.multi_reduction <add>, %integer_pow3A, %reduce_sum3A_13 [0] : vector<10000x256xf32> to vector<256xf32>
    %broadcast_in_dim3A_15 = vector.shape_cast %reduce_sum3A_14 : vector<256xf32> to vector<1x256xf32>
    %div3A_16 = arith.constant 1.000000e+04 : f32
    %div3A_17 = vector.broadcast %div3A_16 : f32 to vector<1x256xf32>
    %div3A_18 = arith.divf %broadcast_in_dim3A_15, %div3A_17 : vector<1x256xf32>
    %sub3A_19 = vector.broadcast %div3A_11 : vector<1x256xf32> to vector<10000x256xf32>
    %sub3A_20 = arith.subf %concatenate3A, %sub3A_19 : vector<10000x256xf32>
    %add3A = arith.constant 9.99999974E-6 : f32
    %add3A_21 = vector.broadcast %add3A : f32 to vector<1x256xf32>
    %add3A_22 = arith.addf %div3A_18, %add3A_21 : vector<1x256xf32>
    %rsqrt3A = math.rsqrt %add3A_22 : vector<1x256xf32>
    %mul3A = vector.broadcast %rsqrt3A : vector<1x256xf32> to vector<10000x256xf32>
    %mul3A_23 = arith.mulf %sub3A_20, %mul3A : vector<10000x256xf32>
    %get3A_24 = arith.constant 0 : index
    %get3A_25 = arith.constant 0 : index
    %get3A_26 = vector.load %arg1[%get3A_24, %get3A_25] : memref<1x256xf32, #tpu.memory_space<vmem>>, vector<1x256xf32>
    %mul3A_27 = vector.broadcast %get3A_26 : vector<1x256xf32> to vector<10000x256xf32>
    %mul3A_28 = arith.mulf %mul3A_23, %mul3A_27 : vector<10000x256xf32>
    %get3A_29 = arith.constant 0 : index
    %get3A_30 = arith.constant 0 : index
    %get3A_31 = vector.load %arg2[%get3A_29, %get3A_30] : memref<1x256xf32, #tpu.memory_space<vmem>>, vector<1x256xf32>
    %add3A_32 = vector.broadcast %get3A_31 : vector<1x256xf32> to vector<10000x256xf32>
    %add3A_33 = arith.addf %mul3A_28, %add3A_32 : vector<10000x256xf32>
    %mul3A_34 = arith.constant 5.000000e-01 : f32
    %mul3A_35 = vector.broadcast %mul3A_34 : f32 to vector<10000x256xf32>
    %mul3A_36 = arith.mulf %mul3A_35, %add3A_33 : vector<10000x256xf32>
    %mul3A_37 = arith.constant 0.707106769 : f32
    %mul3A_38 = vector.broadcast %mul3A_37 : f32 to vector<10000x256xf32>
    %mul3A_39 = arith.mulf %add3A_33, %mul3A_38 : vector<10000x256xf32>
    %erf3A = math.erf %mul3A_39 : vector<10000x256xf32>
    %add3A_40 = arith.constant 1.000000e+00 : f32
    %add3A_41 = vector.broadcast %add3A_40 : f32 to vector<10000x256xf32>
    %add3A_42 = arith.addf %add3A_41, %erf3A : vector<10000x256xf32>
    %mul3A_43 = arith.mulf %mul3A_36, %add3A_42 : vector<10000x256xf32>
    %swap3A = arith.constant 0 : index
    %swap3A_44 = arith.constant 0 : index
    %swap3A_45 = vector.load %arg3[%swap3A, %swap3A_44] : memref<10000x256xf32, #tpu.memory_space<vmem>>, vector<10000x256xf32>
    tpu.vector_store %arg3[%swap3A, %swap3A_44], %mul3A_43 {strides = array<i32>} : memref<10000x256xf32, #tpu.memory_space<vmem>>, vector<10000x256xf32>,
    return
  }
}

</mosaic_0001>

<sc_bundles>
// kernel: kernel.5.cloned.1.call-start
scs
__scs_entry_jumppad:
0x0: {  	(pc) =	sbr.rel $0x88, $3  }
0x1: {  	(tag) =	ssettag $0x0;
	lr =	simm.s32 $0x1  }
0x2: {  	[smem:$0x3F9C] =	sst lr;
	_ =	strace $0xD0000000  }
0x3: {  	_ = 	snop  }
0x4: {  	_ = 	snop  }
0x5: {  	_ = 	snop  }
0x6: {  	_ = 	snop  }
0x7: {  	_ = 	snop  }
__scs_overlays_trampoline_lowered:
0x8: {  	[smem:$0x3FAB] =	sst s0  }
0x9: {  	[smem:$0x3FAC] =	sst s1  }
0xa: {  	[smem:$0x3FAD] =	sst s2  }
0xb: {  	[smem:$0x3FAE] =	sst s3  }
0xc: {  	[smem:$0x3FAF] =	sst s4  }
0xd: {  	[smem:$0x3FB0] =	sst s5  }
0xe: {  	[smem:$0x3FB1] =	sst s6  }
0xf: {  	[smem:$0x3FB2] =	sst s7  }
0x10: {  	[smem:$0x3FB3] =	sst s8  }
0x11: {  	[smem:$0x3FB4] =	sst s9;
	s0 =	simm.s32 @!p0 $0x0  }
0x12: {  	s1 =	sld [smem:$0x3F9A];
	s0 =	simm.s32 @p0 $0x1  }
0x13: {  	[smem:$0x3FB5] =	sst s0;
	s0 =	simm.s32 @!p1 $0x0  }
0x14: {  	s2 =	sld [smem:$0x3F99];
	s0 =	simm.s32 @p1 $0x1  }
0x15: {  	[smem:$0x3FB6] =	sst s0;
	s0 =	simm.s32 @!p2 $0x0  }
0x16: {  	s3 =	sld [smem:$0x3FDB];
	s0 =	simm.s32 @p2 $0x1  }
0x17: {  	s4 =	simm.s32 $0x1BF5;
	[smem:$0x3FB8] =	sst s0  }
0x18: {  	s0 =	sld [smem:$0x3F9B];
	_ =	swait.ge [sflag:s4], $0x0  }
0x19: {  	s7 =	sld [smem:$0x3F9C]  }
0x1a: {  	s8 =	sadd.s32 $0xFFFFE003, lr  }
0x1b: {  	s9 =	sadd.s32 $0xFFFFFEF7, lr;
	s5 =	simm.s32 $0xFFFFFFFF;
	p2 =	slt.u32 s8, $0xFFFFF086  }
0x1c: {  	p1 =	slt.u32 s9, $0xF7A;
	s5 =	simm.s32 @!p2 $0x0  }
0x1d: {  	s5 =	simm.s32 @p1 $0x1;
	p0 =	seq.s32 s7, s2  }
0x1e: {  	s7 =	smul.u32 @!p0 $0xF7A, s2;
	p2 =	seq.s32 @!p0 s5, $0x0  }
0x1f: {  	s9 =	smul.u32 $0xF7A, s1;
	s8 =	simm.s32 @!p0 $0x1BF5;
	p2 =	por !p2, p0  }
0x20: {  	[sflag:s8] =	ssyncset.s32 @!p0 $0xFFFFF086;
	s6 =	sadd.s32 @!p0 s3, s7;
	s7 =	simm.s32 @!p0 $0x108  }
0x21: {  	s3 =	sadd.s32 s3, s9;
	s6 =	sadd.s32 @!p0 $0x88, s6;
	s7 =	simm.s32 @p2 $0x1082  }
0x22: {  	[simem:s7], [sflag:s8] =	dma.local @!p0 [hbm:s6], $0xF7A  }
0x23: {  	s9 =	sor.u32 $0xD0000000, s2;
	s6 =	simm.s32 $0x108;
	_ =	swait.ge @!p0 [sflag:s8], $0x0  }
0x24: {  	s3 =	sadd.s32 $0x88, s3;
	s6 =	simm.s32 @!p1 $0x1082;
	[sflag:s4] =	ssyncset.s32 $0xFFFFF086  }
0x25: {  	[simem:s6], [sflag:s4] =	dma.local [hbm:s3], $0xF7A  }
0x26: {  	[smem:$0x3F9C] =	sst s1;
	(tag) =	ssettag s2;
	_ =	strace s9  }
0x27: {  	s1 =	sld [smem:$0x3FAC]  }
0x28: {  	s2 =	sld [smem:$0x3FAD]  }
0x29: {  	s4 =	sld [smem:$0x3FAF]  }
0x2a: {  	p0 =	seq.s32 s5, $0x0;
	s5 =	sld [smem:$0x3FB0]  }
0x2b: {  	s6 =	sld [smem:$0x3FB1]  }
0x2c: {  	s7 =	sld [smem:$0x3FB2]  }
0x2d: {  	s3 =	simm.s32 $0x108;
	s8 =	sld [smem:$0x3FB3]  }
0x2e: {  	s3 =	simm.s32 @!p0 $0x1082;
	s9 =	sld [smem:$0x3FB4]  }
0x2f: {  	lr =	sadd.s32 s0, s3;
	s0 =	sld [smem:$0x3FAB]  }
0x30: {  	s3 =	sld [smem:$0x3FAE]  }
0x31: {  	[smem:$0x3FB7] =	sst s10  }
0x32: {  	s10 =	sld [smem:$0x3FB5];
	_ =	sdelay $0x3  }
0x33: {  	p0 =	seq.s32 s10, $0x1;
	s10 =	sld [smem:$0x3FB7];
	_ =	sdelay $0x3  }
0x34: {  	[smem:$0x3FB7] =	sst s10  }
0x35: {  	s10 =	sld [smem:$0x3FB6];
	_ =	sdelay $0x3  }
0x36: {  	p1 =	seq.s32 s10, $0x1;
	s10 =	sld [smem:$0x3FB7];
	_ =	sdelay $0x3  }
0x37: {  	[smem:$0x3FB7] =	sst s10  }
0x38: {  	s10 =	sld [smem:$0x3FB8]  }
0x39: {  	_ = 	snop;
	(pc) =	sbr.ind lr, $3  }
0x3a: {  	_ = 	snop  }
0x3b: {  	_ = 	snop  }
0x3c: {  	p2 =	seq.s32 s10, $0x1;
	s10 =	sld [smem:$0x3FB7]  }
0x3d: {  	_ =	shalt  }
0x3e: {  	_ =	shalt  }
0x3f: {  	_ =	shalt  }
0x40: {  	_ =	shalt  }
0x41: {  	_ =	shalt  }
0x42: {  	_ =	shalt  }
0x43: {  	_ =	shalt  }
0x44: {  	_ =	shalt  }
0x45: {  	_ =	shalt  }
0x46: {  	_ =	shalt  }
0x47: {  	_ =	shalt  }
0x48: {  	_ =	shalt  }
0x49: {  	_ =	shalt  }
0x4a: {  	_ =	shalt  }
0x4b: {  	_ =	shalt  }
0x4c: {  	_ =	shalt  }
0x4d: {  	_ =	shalt  }
0x4e: {  	_ =	shalt  }
0x4f: {  	_ =	shalt  }
0x50: {  	_ =	shalt  }
0x51: {  	_ =	shalt  }
0x52: {  	_ =	shalt  }
0x53: {  	_ =	shalt  }
0x54: {  	_ =	shalt  }
0x55: {  	_ =	shalt  }
0x56: {  	_ =	shalt  }
0x57: {  	_ =	shalt  }
0x58: {  	_ =	shalt  }
0x59: {  	_ =	shalt  }
0x5a: {  	_ =	shalt  }
0x5b: {  	_ =	shalt  }
0x5c: {  	_ =	shalt  }
0x5d: {  	_ =	shalt  }
0x5e: {  	_ =	shalt  }
0x5f: {  	_ =	shalt  }
0x60: {  	_ =	shalt  }
0x61: {  	_ =	shalt  }
0x62: {  	_ =	shalt  }
0x63: {  	_ =	shalt  }
0x64: {  	_ =	shalt  }
0x65: {  	_ =	shalt  }
0x66: {  	_ =	shalt  }
0x67: {  	_ =	shalt  }
0x68: {  	_ =	shalt  }
0x69: {  	_ =	shalt  }
0x6a: {  	_ =	shalt  }
0x6b: {  	_ =	shalt  }
0x6c: {  	_ =	shalt  }
0x6d: {  	_ =	shalt  }
0x6e: {  	_ =	shalt  }
0x6f: {  	_ =	shalt  }
0x70: {  	_ =	shalt  }
0x71: {  	_ =	shalt  }
0x72: {  	_ =	shalt  }
0x73: {  	_ =	shalt  }
0x74: {  	_ =	shalt  }
0x75: {  	_ =	shalt  }
0x76: {  	_ =	shalt  }
0x77: {  	_ =	shalt  }
0x78: {  	_ =	shalt  }
0x79: {  	_ =	shalt  }
0x7a: {  	_ =	shalt  }
0x7b: {  	_ =	shalt  }
0x7c: {  	_ =	shalt  }
0x7d: {  	_ =	shalt  }
0x7e: {  	_ =	shalt  }
0x7f: {  	_ =	shalt  }
0x80: {  	_ =	shalt  }
0x81: {  	_ =	shalt  }
0x82: {  	_ =	shalt  }
0x83: {  	_ =	shalt  }
0x84: {  	_ =	shalt  }
0x85: {  	_ =	shalt  }
0x86: {  	_ =	shalt  }
0x87: {  	_ =	shalt  }
.Lfunc_end0:
.L_simem_size_0:
called_computation_lowered:
.L_overlay_start_0:
0x88: {  	s2 =	sld [smem:$0x3FD9]  }
0x89: {  	s3 =	sld [smem:$0x3FFE];
	_ =	sdelay $0x1  }
0x8a: {  	s1 =	srdreg.scid  }
0x8b: {  	s0 =	sand.u32 $0x1, s1  }
0x8c: {  	s17 =	sshll.u32 s0, $0xA;
	s2 =	sadd.s32 s3, s2  }
0x8d: {  	s2 =	sadd.s32 s2, s17  }
0x8e: {  	[smem:$0x3FC3] =	sst s2  }
0x8f: {  	_ = 	snop  }
0x90: {  	s2 =	sld [smem:$0x3FD0];
	(tm) =	ssettm $0x1  }
0x91: {  	s18 =	sld [smem:$0x3FFB];
	_ =	sdelay $0x3  }
0x92: {  	_ =	strace s18  }
0x93: {  	s3 =	sld [smem:$0x3FFC];
	_ =	sdelay $0x3  }
0x94: {  	_ =	strace s3  }
0x95: {  	s3 =	sld [smem:$0x3FFD];
	_ =	sdelay $0x3  }
0x96: {  	_ =	strace s3  }
0x97: {  	_ =	strace $0x8FFFFFFF  }
0x98: {  	s19 =	sld [smem:$0x3FDB];
	_ =	sdelay $0x1  }
0x99: {  	s4 =	simm.s32 $_scs_section_size  }
0x9a: {  	s5 =	simm.s32 $_size__tile_overlayer_lowered;
	s6 =	simm.s32 $_tile_overlayer_lowered  }
0x9b: {  	s22 =	simm.s32 $0x1BFF;
	s21 =	sshll.u32 s6, $0x1;
	s3 =	sadd.s32 s4, s19  }
0x9c: {  	s7 =	simm.s32 $0x0;
	s20 =	sshll.u32 s5, $0x1;
	s5 =	sadd.s32 s21, s3  }
0x9d: {  	[timem:s7], [sflag:s22] =	dma.local [hbm:s5], s20  }
0x9e: {  	_ =	swait.ge [sflag:s22], s20  }
0x9f: {  	s4 =	ssub.s32 $0x0, s20;
	[sflag:s22] =	ssyncset.done $0x0  }
0xa0: {  	[sflag:s22] =	ssyncadd.s32 s4;
	_ =	sdelay $0x1  }
0xa1: {  	s23 =	simm.s32 $0x1B8B  }
0xa2: {  	_ =	swait.ge [sflag:s23], $0x1  }
0xa3: {  	[sflag:s23] =	ssyncset.done $0x0  }
0xa4: {  	s25 =	simm.s32 $0x1B8E;
	s24 =	sld [smem:$0x3FFE];
	[sflag:s23] =	ssyncadd.s32 $0xFFFFFFFF  }
0xa5: {  	s26 =	simm.s32 $execute0_lowered;
	[smem:$0x3FD2] =	sst s25  }
0xa6: {  	s5 =	sshll.u32 s26, $0x1;
	_ =	strace $0x80000046;
	[dreg:$0x1] =	wrdreg $0xFFFFFFFF  }
0xa7: {  	s28 =	simm.s32 $_size_execute0_lowered;
	s3 =	sadd.s32 s3, s5;
	[dreg:$0x0] =	wrdreg $0x0  }
0xa8: {  	s5 =	sshll.u32 s28, $0x1;
	[dreg:$0x2] =	wrdreg s3  }
0xa9: {  	[dreg:$0x3] =	wrdreg s5  }
0xaa: {  	[dreg:$0x4] =	wrdreg $0xC0  }
0xab: {  	_ =	task [dreg:s7], $0x5FFFF  }
0xac: {  	[dreg:$0x1] =	wrdreg $0xFFFFFFFF  }
0xad: {  	[dreg:$0x0] =	wrdreg $0x60  }
0xae: {  	[dreg:$0x2] =	wrdreg s24  }
0xaf: {  	[dreg:$0x3] =	wrdreg s2  }
0xb0: {  	[dreg:$0x4] =	wrdreg $0x81000  }
0xb1: {  	[dreg:$0x5] =	wrdreg $0x9  }
0xb2: {  	_ =	task.clear_ibuf [dreg:s7], $0x6FFFF;
	_ =	strace $0x90000046  }
0xb3: {  	s29 =	simm.s32 $0x9;
	_ =	strace $0x80000048  }
0xb4: {  	_ =	swait.ge [sflag:s29], $0x1  }
0xb5: {  	[sflag:s29] =	ssyncadd.s32 $0xFFFFFFFF  }
0xb6: {  	_ =	strace $0x90000048  }
0xb7: {  	_ =	sfence  }
0xb8: {  	s30 =	sld [smem:$0x0];
	_ =	sdelay $0x2  }
0xb9: {  	s31 =	sshll.u32 s1, $0xD;
	s1 =	sshrl.u32 s1, $0x2  }
0xba: {  	s3 =	sand.u32 $0x4000, s31;
	s1 =	sadd.s32 s1, s30  }
0xbb: {  	s0 =	sor.u32 s3, s0;
	s1 =	sshll.u32 s1, $0x11  }
0xbc: {  	s0 =	sor.u32 s1, s0  }
0xbd: {  	s0 =	sadd.s32 $0x8F2B, s0  }
0xbe: {  	[sflag:s0] =	ssyncadd.remote.s32 $0x1  }
0xbf: {  	_ =	sfence.sel $0xFFFF  }
0xc0: {  	[dreg:$0x0] =	wrdreg $0xFFFFFFFF;
	(pc) =	sbr.abs _section_cstart, $3  }
0xc1: {  	[dreg:$0x1] =	wrdreg $0xFFFFFFFF  }
0xc2: {  	_ =	task.clear_ibuf [dreg:s7], $0x2FFFF;
	_ =	strace $0x9FFFFFFF  }
0xc3: {  	(tm) =	ssettm $0x7FFFFFFF  }
tec
execute0_lowered:
.L_overlay_start_1:
0x0: {  	(tag) =	ssettag $0x1  }
0x1: {  	s8 =	rddreg [dreg:$0x0]  }
0x2: {  	s1 =	rddreg [dreg:$0x1]  }
0x3: {  	s2 =	rddreg [dreg:$0x2];
	s3 =	simm.s32 $0x0;
	s9 =	srdreg.scid  }
0x4: {  	s4 =	stileid.u32;
	s20 =	simm.s32 $0x100;
	s21 =	simm.s32 $0x1  }
0x5: {  	s22 =	simm.s32 $0x80;
	s23 =	simm.s32 $0x4100;
	s24 =	simm.s32 $0x3  }
0x6: {  	s28 =	simm.s32 $0x0;
	s6 =	sadd.s32 $0x420E00, s8;
	s10 =	smul.u32 $0x4F000, s4  }
0x7: {  	[smem:$0x7FF] =	sst s3;
	s7 =	sadd.s32 $0x840E00, s8;
	s14 =	smul.u32 $0x4200, s4  }
0x8: {  	s5 =	sadd.s32 $0xE00, s8;
	s12 =	sadd.s32 $0x843600, s8;
	s16 =	smul.u32 $0x13C00, s4  }
0x9: {  	s9 =	sand.u32 $0x1, s9;
	s17 =	sadd.s32 $0x128400, s2;
	s29 =	smul.u32 $0x42000, s4  }
0xa: {  	s31 =	smul.u32 $0x840, s4;
	p1 =	seq.s32 s4, $0xF;
	_ =	strace $0x80000047  }
0xb: {  	s25 =	ssub.s32 $0x2, s9;
	s13 =	smul.u32 $0x138C00, s9;
	p0 =	seq.s32 s9, $0x1  }
0xc: {  	s18 =	sshll.u32 @!p1 s4, $0x6;
	s17 =	sshrl.u32 @p1 s17, $0x3;
	s11 =	sshrl.u32 s25, $0x1  }
0xd: {  	s10 =	sshrl.u32 s10, $0x2;
	s26 =	sshrl.u32 s14, $0x3;
	s9 =	sadd.s32 s5, s29  }
0xe: {  	s14 =	sadd.s32 $0x4180, s14;
	s18 =	sor.u32 @!p1 $0x1C03, s18;
	s15 =	ssub.s32 s25, s11  }
0xf: {  	s19 =	sadd.s32 s10, s2;
	s8 =	sadd.s32 s1, s26;
	s30 =	sadd.s32 s16, s13  }
.Ltmp0:
0x10: {  	s13 =	sshrl.u32 s13, $0x3;
	s10 =	sadd.s32 s6, s29;
	(pc) =	sbr.rel .LBB2_1-.Ltmp0, $4  }
0x11: {  	s25 =	sadd.s32 s16, s2;
	s16 =	sadd.s32 s31, s1;
	s26 =	simm.s32 $0x2  }
0x12: {  	s11 =	sshrl.u32 s30, $0x3;
	s16 =	sadd.s32 $0x20, s16;
	s19 =	sshrl.u32 @!p1 s19, $0x3  }
0x13: {  	s25 =	sshrl.u32 @!p1 s25, $0x3;
	s11 =	sadd.s32 s12, s11;
	s12 =	sadd.s32 s12, s13  }
0x14: {  	s13 =	smax.u32 s15, $0x1;
	s15 =	sshll.u32 s14, $0x4;
	s12 =	sadd.s32 $0x25080, s12  }
.LBB2_7:
0x15: {  	[sflag:s24] =	ssyncadd.s32 $0xFFFFC000;
	s29 =	smov.u32 s6  }
.LBB2_8:
0x16: {  	_ =	swait.ge [sflag:s21], $0x80  }
0x17: {  	[sflag:s21] =	ssyncset.done $0x0  }
0x18: {  	[sflag:s21] =	ssyncadd.s32 $0xFFFFFF80  }
0x19: {  	_ =	swait.ge [sflag:s21], $0x4000  }
0x1a: {  	s0 =	sshrl.u32 s14, $0x3;
	[sflag:s21] =	ssyncset.done $0x0  }
0x1b: {  	s0 =	sadd.s32 s1, s0;
	[sflag:s21] =	ssyncadd.s32 $0xFFFFC000  }
0x1c: {  	[tilespmem:s22], [sflag:$0x2] =	stream.linear.gather [hbm4b:s0+s3], $0x80, $0x38;
	[tilespmem:$0x1B9C0] =	vst v63  }
0x1d: {  	s31 =	sadd.s32 s29, s15  }
0x1e: {  	[tilespmem:s23], [sflag:$0x2] =	stream.linear.gather [hbm4b:s31+s3], $0x4000, $0x38;
	[tilespmem:$0x1B9C0] =	vst v63  }
0x1f: {  	_ = 	snop  }
0x20: {  	[spmem:s2] =	stream.indirect.scatter.add.f32 [tilespmem:s20], [sflag:$0x3], $0x80, s3, s22, $0xb8;
	[tilespmem:$0x1B9C0] =	vst v63  }
0x21: {  	_ =	swait.ge [sflag:s24], $0x4000  }
0x22: {  	[sflag:s24] =	ssyncset.done $0x0  }
0x23: {  	[sflag:s24] =	ssyncadd.s32 $0xFFFFC000  }
0x24: {  	_ =	swait.ge [sflag:s26], $0x80  }
0x25: {  	[sflag:s26] =	ssyncset.done $0x0  }
0x26: {  	[sflag:s26] =	ssyncadd.s32 $0xFFFFFF80  }
0x27: {  	_ =	swait.ge [sflag:s26], $0x4000  }
0x28: {  	[sflag:s26] =	ssyncset.done $0x0  }
0x29: {  	[sflag:s26] =	ssyncadd.s32 $0xFFFFC000  }
0x2a: {  	[spmem:s2] =	stream.indirect.scatter.add.f32 [tilespmem:s23], [sflag:$0x3], $0x80, s22, s22, $0xb8;
	[tilespmem:$0x1B9C0] =	vst v63  }
0x2b: {  	_ =	swait.ge [sflag:s24], $0x4000  }
0x2c: {  	[sflag:s24] =	ssyncset.done $0x0  }
0x2d: {  	[sflag:s24] =	ssyncadd.s32 $0xFFFFC000  }
0x2e: {  	s0 =	simm.s32 @p1 $0x1FC3;
	[bflag:$0x0] =	sbarrier.arrive $0xFFFF  }
0x2f: {  	[hbm:s12], [sflag:s0] =	dma.local @p1 [spmem:s17], $0x2100  }
0x30: {  	s0 =	simm.s32 @p1 $0x3  }
0x31: {  	s28 =	sadd.s32 $0x1, s28;
	_ =	swait.ge @p1 [sflag:s0], $0x2100  }
0x32: {  	p2 =	sne.s32 s28, s13;
	[sflag:s0] =	ssyncset.done @p1 $0x0  }
.Ltmp1:
0x33: {  	[sflag:s0] =	ssyncadd.s32 @p1 $0xFFFFDF00;
	s0 =	simm.s32 @!p1 $0x3;
	(pc) =	sbr.rel @!p2 .LBB2_9-.Ltmp1, $4  }
0x34: {  	[hbm:s11], [sflag:s18] =	dma.local @!p1 [spmem:s25], $0x2780  }
0x35: {  	_ =	swait.ge @!p1 [sflag:s0], $0x2780  }
0x36: {  	[sflag:s0] =	ssyncset.done @!p1 $0x0  }
0x37: {  	[sflag:s0] =	ssyncadd.s32 @!p1 $0xFFFFD880  }
.LBB2_1:
0x38: {  	s29 =	simm.s32 @p1 $0x1FC3  }
0x39: {  	[spmem:s17], [sflag:s29] =	dma.local @p1 [hbm:s7], $0x2100  }
0x3a: {  	s29 =	simm.s32 @p1 $0x3  }
0x3b: {  	_ =	swait.ge @p1 [sflag:s29], $0x2100  }
0x3c: {  	[sflag:s29] =	ssyncset.done @p1 $0x0  }
0x3d: {  	[sflag:s29] =	ssyncadd.s32 @p1 $0xFFFFDF00;
	s29 =	simm.s32 @!p1 $0x3  }
0x3e: {  	[spmem:s19], [sflag:s18] =	dma.local @!p1 [hbm:s7], $0x2780  }
.Ltmp2:
0x3f: {  	_ =	swait.ge @!p1 [sflag:s29], $0x2780;
	(pc) =	sbr.rel @!p0 .LBB2_2-.Ltmp2, $4  }
0x40: {  	[sflag:s29] =	ssyncset.done @!p1 $0x0  }
0x41: {  	[sflag:s29] =	ssyncadd.s32 @!p1 $0xFFFFD880  }
0x42: {  	[bflag:$0x0] =	sbarrier.arrive $0xFFFF  }
0x43: {  	[tilespmem:s3], [sflag:$0x1] =	stream.linear.gather [hbm4b:s8+s3], $0x80, $0x38;
	[tilespmem:$0x1B9C0] =	vst v63  }
0x44: {  	s0 =	simm.s32 $0x0  }
0x45: {  	[tilespmem:s20], [sflag:$0x1] =	stream.linear.gather [hbm4b:s10+s0], $0x4000, $0x38;
	[tilespmem:$0x1B9C0] =	vst v63  }
0x46: {  	_ =	swait.ge [sflag:s21], $0x80  }
0x47: {  	[sflag:s21] =	ssyncset.done $0x0  }
0x48: {  	[sflag:s21] =	ssyncadd.s32 $0xFFFFFF80  }
0x49: {  	_ =	swait.ge [sflag:s21], $0x4000  }
0x4a: {  	[sflag:s21] =	ssyncset.done $0x0  }
0x4b: {  	s31 =	sadd.s32 $0xFFFFFFF0, s16;
	s29 =	sadd.s32 $0x0, s10;
	[sflag:s21] =	ssyncadd.s32 $0xFFFFC000  }
0x4c: {  	[tilespmem:s22], [sflag:$0x2] =	stream.linear.gather [hbm4b:s31+s3], $0x80, $0x38;
	[tilespmem:$0x1B9C0] =	vst v63  }
0x4d: {  	s31 =	sadd.s32 $0x800, s29  }
0x4e: {  	[tilespmem:s23], [sflag:$0x2] =	stream.linear.gather [hbm4b:s31+s3], $0x4000, $0x38;
	[tilespmem:$0x1B9C0] =	vst v63  }
0x4f: {  	_ = 	snop  }
0x50: {  	[spmem:s2] =	stream.indirect.scatter.add.f32 [tilespmem:s20], [sflag:$0x3], $0x80, s3, s22, $0xb8;
	[tilespmem:$0x1B9C0] =	vst v63  }
0x51: {  	_ =	swait.ge [sflag:s24], $0x4000  }
0x52: {  	[sflag:s24] =	ssyncset.done $0x0  }
0x53: {  	[sflag:s24] =	ssyncadd.s32 $0xFFFFC000  }
0x54: {  	_ =	swait.ge [sflag:s26], $0x80  }
0x55: {  	[sflag:s26] =	ssyncset.done $0x0  }
0x56: {  	[sflag:s26] =	ssyncadd.s32 $0xFFFFFF80  }
0x57: {  	_ =	swait.ge [sflag:s26], $0x4000  }
0x58: {  	[sflag:s26] =	ssyncset.done $0x0  }
0x59: {  	[sflag:s26] =	ssyncadd.s32 $0xFFFFC000  }
0x5a: {  	[tilespmem:s3], [sflag:$0x1] =	stream.linear.gather [hbm4b:s16+s3], $0x80, $0x38;
	[tilespmem:$0x1B9C0] =	vst v63  }
0x5b: {  	s31 =	sadd.s32 $0x1000, s29  }
0x5c: {  	[tilespmem:s20], [sflag:$0x1] =	stream.linear.gather [hbm4b:s31+s3], $0x4000, $0x38;
	[tilespmem:$0x1B9C0] =	vst v63  }
0x5d: {  	_ = 	snop  }
0x5e: {  	[spmem:s2] =	stream.indirect.scatter.add.f32 [tilespmem:s23], [sflag:$0x3], $0x80, s22, s22, $0xb8;
	[tilespmem:$0x1B9C0] =	vst v63  }
0x5f: {  	_ =	swait.ge [sflag:s24], $0x4000  }
0x60: {  	s30 =	smov.u32 s16;
	s29 =	simm.s32 $0x1000;
	[sflag:s24] =	ssyncset.done $0x0  }
.LBB2_6:
0x61: {  	p2 =	sne.s32 s29, $0x40000;
	[sflag:s24] =	ssyncadd.s32 $0xFFFFC000;
	s30 =	sadd.s32 $0x20, s30  }
0x62: {  	s0 =	smov.u32 s29;
	s29 =	sadd.s32 $0x1000, s29  }
0x63: {  	_ =	swait.ge [sflag:s21], $0x80  }
0x64: {  	[sflag:s21] =	ssyncset.done $0x0  }
0x65: {  	[sflag:s21] =	ssyncadd.s32 $0xFFFFFF80  }
0x66: {  	_ =	swait.ge [sflag:s21], $0x4000  }
0x67: {  	[sflag:s21] =	ssyncset.done $0x0  }
0x68: {  	s31 =	sadd.s32 $0xFFFFFFF0, s30;
	s0 =	sadd.s32 s0, s10;
	[sflag:s21] =	ssyncadd.s32 $0xFFFFC000  }
0x69: {  	[tilespmem:s22], [sflag:$0x2] =	stream.linear.gather [hbm4b:s31+s3], $0x80, $0x38;
	[tilespmem:$0x1B9C0] =	vst v63  }
0x6a: {  	s31 =	sadd.s32 $0x800, s0  }
0x6b: {  	[tilespmem:s23], [sflag:$0x2] =	stream.linear.gather [hbm4b:s31+s3], $0x4000, $0x38;
	[tilespmem:$0x1B9C0] =	vst v63  }
0x6c: {  	_ = 	snop  }
0x6d: {  	[spmem:s2] =	stream.indirect.scatter.add.f32 [tilespmem:s20], [sflag:$0x3], $0x80, s3, s22, $0xb8;
	[tilespmem:$0x1B9C0] =	vst v63  }
0x6e: {  	_ =	swait.ge [sflag:s24], $0x4000  }
0x6f: {  	[sflag:s24] =	ssyncset.done $0x0  }
0x70: {  	[sflag:s24] =	ssyncadd.s32 $0xFFFFC000  }
0x71: {  	_ =	swait.ge [sflag:s26], $0x80  }
0x72: {  	[sflag:s26] =	ssyncset.done $0x0  }
0x73: {  	[sflag:s26] =	ssyncadd.s32 $0xFFFFFF80  }
0x74: {  	_ =	swait.ge [sflag:s26], $0x4000  }
0x75: {  	[sflag:s26] =	ssyncset.done $0x0  }
0x76: {  	[sflag:s26] =	ssyncadd.s32 $0xFFFFC000  }
0x77: {  	[tilespmem:s3], [sflag:$0x1] =	stream.linear.gather [hbm4b:s30+s3], $0x80, $0x38;
	[tilespmem:$0x1B9C0] =	vst v63  }
0x78: {  	s0 =	sadd.s32 $0x1000, s0  }
0x79: {  	[tilespmem:s20], [sflag:$0x1] =	stream.linear.gather [hbm4b:s0+s3], $0x4000, $0x38;
	[tilespmem:$0x1B9C0] =	vst v63  }
.Ltmp3:
0x7a: {  	_ = 	snop;
	(pc) =	sbr.rel @p2 .LBB2_6-.Ltmp3, $4  }
0x7b: {  	_ = 	snop  }
0x7c: {  	[spmem:s2] =	stream.indirect.scatter.add.f32 [tilespmem:s23], [sflag:$0x3], $0x80, s22, s22, $0xb8;
	[tilespmem:$0x1B9C0] =	vst v63  }
0x7d: {  	_ =	swait.ge [sflag:s24], $0x4000  }
0x7e: {  	[sflag:s24] =	ssyncset.done $0x0  }
.Ltmp4:
0x7f: {  	_ = 	snop;
	(pc) =	sbr.rel .LBB2_7-.Ltmp4, $1  }
0x80: {  	_ =	sdelay $0x3  }
.LBB2_2:
0x81: {  	s29 =	simm.s32 $0x0  }
0x82: {  	[tilespmem:s20], [sflag:$0x1] =	stream.linear.gather [hbm4b:s9+s29], $0x4000, $0x38;
	[tilespmem:$0x1B9C0] =	vst v63  }
0x83: {  	_ =	swait.ge [sflag:s21], $0x80  }
0x84: {  	[sflag:s21] =	ssyncset.done $0x0  }
0x85: {  	[sflag:s21] =	ssyncadd.s32 $0xFFFFFF80  }
0x86: {  	_ =	swait.ge [sflag:s21], $0x4000  }
0x87: {  	[sflag:s21] =	ssyncset.done $0x0  }
0x88: {  	s30 =	sadd.s32 $0x0, s9;
	s29 =	sadd.s32 $0xFFFFFFF0, s16;
	[sflag:s21] =	ssyncadd.s32 $0xFFFFC000  }
0x89: {  	[tilespmem:s22], [sflag:$0x2] =	stream.linear.gather [hbm4b:s29+s3], $0x80, $0x38;
	[tilespmem:$0x1B9C0] =	vst v63  }
0x8a: {  	s29 =	sadd.s32 $0x800, s30  }
0x8b: {  	[tilespmem:s23], [sflag:$0x2] =	stream.linear.gather [hbm4b:s29+s3], $0x4000, $0x38;
	[tilespmem:$0x1B9C0] =	vst v63  }
0x8c: {  	_ = 	snop  }
0x8d: {  	[spmem:s2] =	stream.indirect.scatter.add.f32 [tilespmem:s20], [sflag:$0x3], $0x80, s3, s22, $0xb8;
	[tilespmem:$0x1B9C0] =	vst v63  }
0x8e: {  	_ =	swait.ge [sflag:s24], $0x4000  }
0x8f: {  	[sflag:s24] =	ssyncset.done $0x0  }
0x90: {  	[sflag:s24] =	ssyncadd.s32 $0xFFFFC000  }
0x91: {  	_ =	swait.ge [sflag:s26], $0x80  }
0x92: {  	[sflag:s26] =	ssyncset.done $0x0  }
0x93: {  	[sflag:s26] =	ssyncadd.s32 $0xFFFFFF80  }
0x94: {  	_ =	swait.ge [sflag:s26], $0x4000  }
0x95: {  	[sflag:s26] =	ssyncset.done $0x0  }
0x96: {  	[sflag:s26] =	ssyncadd.s32 $0xFFFFC000  }
0x97: {  	[tilespmem:s3], [sflag:$0x1] =	stream.linear.gather [hbm4b:s16+s3], $0x80, $0x38;
	[tilespmem:$0x1B9C0] =	vst v63  }
0x98: {  	s29 =	sadd.s32 $0x1000, s30  }
0x99: {  	[tilespmem:s20], [sflag:$0x1] =	stream.linear.gather [hbm4b:s29+s3], $0x4000, $0x38;
	[tilespmem:$0x1B9C0] =	vst v63  }
0x9a: {  	_ = 	snop  }
0x9b: {  	[spmem:s2] =	stream.indirect.scatter.add.f32 [tilespmem:s23], [sflag:$0x3], $0x80, s22, s22, $0xb8;
	[tilespmem:$0x1B9C0] =	vst v63  }
0x9c: {  	_ =	swait.ge [sflag:s24], $0x4000  }
0x9d: {  	s30 =	smov.u32 s16;
	s29 =	simm.s32 $0x1000;
	[sflag:s24] =	ssyncset.done $0x0  }
.LBB2_3:
0x9e: {  	p2 =	seq.s32 s29, $0x40000;
	[sflag:s24] =	ssyncadd.s32 $0xFFFFC000;
	s30 =	sadd.s32 $0x20, s30  }
0x9f: {  	s31 =	smov.u32 s29;
	s29 =	sadd.s32 $0x1000, s29  }
0xa0: {  	_ =	swait.ge [sflag:s21], $0x80  }
0xa1: {  	[sflag:s21] =	ssyncset.done $0x0  }
0xa2: {  	[sflag:s21] =	ssyncadd.s32 $0xFFFFFF80  }
0xa3: {  	_ =	swait.ge [sflag:s21], $0x4000  }
0xa4: {  	[sflag:s21] =	ssyncset.done $0x0  }
0xa5: {  	s0 =	sadd.s32 $0xFFFFFFF0, s30;
	s31 =	sadd.s32 s31, s9;
	[sflag:s21] =	ssyncadd.s32 $0xFFFFC000  }
0xa6: {  	[tilespmem:s22], [sflag:$0x2] =	stream.linear.gather [hbm4b:s0+s3], $0x80, $0x38;
	[tilespmem:$0x1B9C0] =	vst v63  }
0xa7: {  	s0 =	sadd.s32 $0x800, s31  }
0xa8: {  	[tilespmem:s23], [sflag:$0x2] =	stream.linear.gather [hbm4b:s0+s3], $0x4000, $0x38;
	[tilespmem:$0x1B9C0] =	vst v63  }
0xa9: {  	_ = 	snop  }
0xaa: {  	[spmem:s2] =	stream.indirect.scatter.add.f32 [tilespmem:s20], [sflag:$0x3], $0x80, s3, s22, $0xb8;
	[tilespmem:$0x1B9C0] =	vst v63  }
0xab: {  	_ =	swait.ge [sflag:s24], $0x4000  }
0xac: {  	[sflag:s24] =	ssyncset.done $0x0  }
0xad: {  	[sflag:s24] =	ssyncadd.s32 $0xFFFFC000  }
0xae: {  	_ =	swait.ge [sflag:s26], $0x80  }
0xaf: {  	[sflag:s26] =	ssyncset.done $0x0  }
0xb0: {  	[sflag:s26] =	ssyncadd.s32 $0xFFFFFF80  }
0xb1: {  	_ =	swait.ge [sflag:s26], $0x4000  }
0xb2: {  	[sflag:s26] =	ssyncset.done $0x0  }
0xb3: {  	[sflag:s26] =	ssyncadd.s32 $0xFFFFC000  }
0xb4: {  	[tilespmem:s3], [sflag:$0x1] =	stream.linear.gather [hbm4b:s30+s3], $0x80, $0x38;
	[tilespmem:$0x1B9C0] =	vst v63  }
0xb5: {  	s0 =	sadd.s32 $0x1000, s31  }
0xb6: {  	[tilespmem:s20], [sflag:$0x1] =	stream.linear.gather [hbm4b:s0+s3], $0x4000, $0x38;
	[tilespmem:$0x1B9C0] =	vst v63  }
.Ltmp5:
0xb7: {  	_ = 	snop;
	(pc) =	sbr.rel @!p2 .LBB2_3-.Ltmp5, $4  }
0xb8: {  	_ = 	snop  }
0xb9: {  	[spmem:s2] =	stream.indirect.scatter.add.f32 [tilespmem:s23], [sflag:$0x3], $0x80, s22, s22, $0xb8;
	[tilespmem:$0x1B9C0] =	vst v63  }
0xba: {  	_ =	swait.ge [sflag:s24], $0x4000  }
0xbb: {  	[sflag:s24] =	ssyncset.done $0x0  }
.Ltmp6:
0xbc: {  	(pc) =	sbr.rel .LBB2_8-.Ltmp6, $2  }
0xbd: {  	_ =	sdelay $0x2  }
0xbe: {  	[sflag:s24] =	ssyncadd.s32 $0xFFFFC000;
	s29 =	smov.u32 s5  }
.LBB2_9:
0xbf: {  	_ =	sfence.sel $0x180000  }
0xc0: {  	[bflag:$0x0] =	sbarrier.arrive $0xFFFF  }
0xc1: {  	_ =	strace $0x90000047  }
0xc2: {  	[bflag:$0x2] =	sbarrier.arrive $0xFFFF  }
0xc3: {  	p0 =	sne.s32 s4, $0x0;
	s0 =	rddreg [dreg:$0x3]  }
0xc4: {  	s0 =	sadd.s32 @!p0 $0x100000, s0  }
0xc5: {  	[sflag:s0] =	ssyncadd.tile.s32 @!p0 $0x1;
	_ =	shalt  }
.Lfunc_end2:
_tile_overlayer_lowered:
.L_overlay_start_2:
0xc6: {  	(tag) =	ssettag $0x2  }
0xc7: {  	s0 =	rddreg [dreg:$0x0];
	s2 =	stileid.u32  }
0xc8: {  	s1 =	rddreg [dreg:$0x1];
	p0 =	sne.s32 s2, $0x0  }
0xc9: {  	s3 =	rddreg [dreg:$0x2];
	[bflag:$0x3] =	sbarrier.arrive $0xFFFF;
	s2 =	simm.s32 @!p0 $0x1C03  }
0xca: {  	[timem:s3], [sflag:s2] =	dma.local @!p0 [hbm:s0], s1  }
0xcb: {  	s0 =	simm.s32 @!p0 $0x3  }
0xcc: {  	_ =	swait.ge @!p0 [sflag:s0], s1  }
0xcd: {  	s1 =	ssub.s32 @!p0 $0x0, s1;
	[sflag:s0] =	ssyncset.done @!p0 $0x0  }
0xce: {  	[sflag:s0] =	ssyncadd.s32 @!p0 s1  }
0xcf: {  	[bflag:$0x3] =	sbarrier.arrive $0xFFFF  }
0xd0: {  	_ =	shalt  }

</sc_bundles>
